<compile_context>
chip_gen: v7x
topology: tpu7x:2x2x1
jax: 0.10.2.dev20260603
libtpu: 0.0.44.dev20260713+nightly
codegen_flags: <defaults>
</compile_context>

<pallas_src>
import functools

import jax
import jax.numpy as jnp
from jax import lax
from jax.experimental import pallas as pl
from jax.experimental.pallas import tpu as pltpu
from jax.experimental.pallas import tpu_sc as plsc

SEQ_PAD = 56
NBUF = 4


@functools.lru_cache(maxsize=None)
def _make_gather(NS: int, S: int, V: int, D: int):
    info = plsc.get_sparse_core_info()
    nw = info.num_cores * info.num_subcores
    n = NS // nw
    lead = NBUF - 1
    n_outer = n // NBUF

    @functools.partial(
        pl.kernel,
        mesh=plsc.VectorSubcoreMesh(core_axis_name="c", subcore_axis_name="s"),
        out_type=jax.ShapeDtypeStruct((NS, S, D), jnp.float32),
        compiler_params=pltpu.CompilerParams(use_tc_tiling_on_sc=True),
        scratch_types=(
            [pltpu.VMEM((n, SEQ_PAD), jnp.int32),
             pltpu.VMEM((NBUF, SEQ_PAD, D), jnp.float32)]
            + [pltpu.SemaphoreType.DMA] * (2 * NBUF)
        ),
    )
    def gather_kernel(idx_hbm, table_hbm, out_hbm, idx_v, rows_v, *sems):
        gsem = sems[:NBUF]
        ssem = sems[NBUF:]
        wid = lax.axis_index("s") * info.num_cores + lax.axis_index("c")
        pltpu.sync_copy(idx_hbm.at[wid], idx_v)
        base = wid * n

        def gather_start(j, b):
            pltpu.async_copy(table_hbm.at[idx_v.at[j]], rows_v.at[b], gsem[b])

        def gather_wait(j, b):
            pltpu.make_async_copy(
                table_hbm.at[idx_v.at[j]], rows_v.at[b], gsem[b]).wait()

        def store_start(j, b):
            pltpu.async_copy(
                rows_v.at[b, pl.ds(0, S)], out_hbm.at[base + j], ssem[b])

        def store_wait(j, b):
            pltpu.make_async_copy(
                rows_v.at[b, pl.ds(0, S)], out_hbm.at[base + j],
                ssem[b]).wait()

        def step(j, b, first, last):
            bg = (b + lead) % NBUF
            if not last:
                if not first:
                    store_wait(j - 1, bg)
                gather_start(j + lead, bg)
            gather_wait(j, b)
            store_start(j, b)

        for m in range(lead):
            gather_start(m, m)
        for b in range(NBUF):
            step(b, b, first=(b == 0), last=False)

        def outer(j0, carry):
            for b in range(NBUF):
                step(j0 * NBUF + b, b, first=False, last=False)
            return carry

        lax.fori_loop(1, n_outer - 1, outer, 0)

        for b in range(NBUF):
            j = (n_outer - 1) * NBUF + b
            step(j, b, first=False, last=(j + lead >= n))
        for b in range(NBUF):
            store_wait(n - NBUF + b, b)

    return gather_kernel


def kernel(x, W):
    NS, S = x.shape
    fn = _make_gather(NS, S, W.shape[0], W.shape[1])
    info = plsc.get_sparse_core_info()
    nw = info.num_cores * info.num_subcores
    npad = SEQ_PAD - S
    pad = (jnp.arange(NS * npad, dtype=jnp.int32) * 97) % W.shape[0]
    idx = jnp.concatenate(
        [x.astype(jnp.int32), pad.reshape(NS, npad)], axis=1)
    idx = idx.reshape(nw, NS // nw, SEQ_PAD)
    return fn(idx, W)

# --- scband reference (transcript-rebuilt; emitter-appended) ---
"""Pipeline reference for scband-embedder-29841432773473 (READ-ONLY COPY).

The authoritative reference and input builder live on the scoring server;
editing this copy changes nothing except your own understanding.
"""

import jax, jax.numpy as jnp
import numpy as np

VOCAB = 100000
D_MODEL = 128

def setup_inputs(seed: int = 0) -> dict:
    key = jax.random.key(seed)
    k_x, k_w = jax.random.split(key)
    x = jax.random.randint(k_x, (4096, 50), 0, VOCAB, dtype=jnp.int64 if jax.config.jax_enable_x64 else jnp.int32)
    W = jax.random.normal(k_w, (VOCAB, D_MODEL), dtype=jnp.float32)
    return {"x": x, "W": W}

def reference(x, W):
    # nn.Embedding forward: row-gather from the embedding table
    return jnp.take(W, x, axis=0)

if __name__ == "__main__":
    import jax
    _d = setup_inputs()
    print(jax.jit(kernel)(*tuple(_d.values())))

</pallas_src>

<mosaic_0001>
#map = affine_map<(d0, d1) -> (0, 0, 0)>
#map1 = affine_map<(d0, d1) -> (0, 0)>
module attributes {stable_mosaic.version = 14 : i64} {
  func.func @gather_kernel(%arg0: i32, %arg1: i32, %arg2: memref<32x128x56xi32, #tpu.memory_space<hbm>>, %arg3: memref<100000x128xf32, #tpu.memory_space<hbm>>, %arg4: memref<4096x50x128xf32, #tpu.memory_space<hbm>>, %arg5: memref<128x56xi32, #tpu.memory_space<vmem>>, %arg6: memref<4x56x128xf32, #tpu.memory_space<vmem>>, %arg7: memref<!tpu.dma_semaphore, #tpu.memory_space<semaphore_mem>>, %arg8: memref<!tpu.dma_semaphore, #tpu.memory_space<semaphore_mem>>, %arg9: memref<!tpu.dma_semaphore, #tpu.memory_space<semaphore_mem>>, %arg10: memref<!tpu.dma_semaphore, #tpu.memory_space<semaphore_mem>>, %arg11: memref<!tpu.dma_semaphore, #tpu.memory_space<semaphore_mem>>, %arg12: memref<!tpu.dma_semaphore, #tpu.memory_space<semaphore_mem>>, %arg13: memref<!tpu.dma_semaphore, #tpu.memory_space<semaphore_mem>>, %arg14: memref<!tpu.dma_semaphore, #tpu.memory_space<semaphore_mem>>) attributes {dimension_semantics = [#tpu.dimension_semantics<core_parallel>, #tpu.dimension_semantics<subcore_parallel>], iteration_bounds = array<i64: 2, 16>, scalar_prefetch = 0 : i64, scratch_operands = 10 : i64, tpu.core_type = #tpu.core_type<sc_vector_subcore>, window_params = [{transform_indices = #map}, {transform_indices = #map1}, {transform_indices = #map}]} {
    %mul3A = arith.constant 2 : i32
    %mul3A_0 = arith.muli %arg1, %mul3A : i32
    %add3A = arith.addi %mul3A_0, %arg0 : i32
    "tpu.region"() ({
      %run_scoped3A = tpu.sem_alloc : memref<!tpu.dma_semaphore, #tpu.memory_space<semaphore_mem>>
      %dma_start3A_502 = arith.constant 0 : i32
      %dma_start3A_503 = arith.constant 0 : i32
      %dma_start3A_504 = tpu.memref_slice %arg2[%add3A, %dma_start3A_502, %dma_start3A_503] : memref<32x128x56xi32, #tpu.memory_space<hbm>> -> memref<1x128x56xi32, #tpu.memory_space<hbm>>
      %dma_start3A_505 = tpu.memref_squeeze %dma_start3A_504 : memref<1x128x56xi32, #tpu.memory_space<hbm>> -> memref<128x56xi32, #tpu.memory_space<hbm>>
      %dma_start3A_506 = arith.constant 0 : i32
      %dma_start3A_507 = arith.constant 0 : i32
      %dma_start3A_508 = tpu.memref_slice %arg2[%add3A, %dma_start3A_506, %dma_start3A_507] : memref<32x128x56xi32, #tpu.memory_space<hbm>> -> memref<1x128x56xi32, #tpu.memory_space<hbm>>
      %dma_start3A_509 = tpu.memref_squeeze %dma_start3A_508 : memref<1x128x56xi32, #tpu.memory_space<hbm>> -> memref<128x56xi32, #tpu.memory_space<hbm>>
      tpu.enqueue_dma source(%dma_start3A_509 : memref<128x56xi32, #tpu.memory_space<hbm>>) target(%arg5 : memref<128x56xi32, #tpu.memory_space<vmem>>) target_semaphore(%run_scoped3A : memref<!tpu.dma_semaphore, #tpu.memory_space<semaphore_mem>>)
      %dma_wait3A_510 = arith.constant 0 : i32
      %dma_wait3A_511 = arith.constant 0 : i32
      %dma_wait3A_512 = tpu.memref_slice %arg2[%add3A, %dma_wait3A_510, %dma_wait3A_511] : memref<32x128x56xi32, #tpu.memory_space<hbm>> -> memref<1x128x56xi32, #tpu.memory_space<hbm>>
      %dma_wait3A_513 = tpu.memref_squeeze %dma_wait3A_512 : memref<1x128x56xi32, #tpu.memory_space<hbm>> -> memref<128x56xi32, #tpu.memory_space<hbm>>
      %dma_wait3A_514 = arith.constant 0 : i32
      %dma_wait3A_515 = arith.constant 0 : i32
      %dma_wait3A_516 = tpu.memref_slice %arg2[%add3A, %dma_wait3A_514, %dma_wait3A_515] : memref<32x128x56xi32, #tpu.memory_space<hbm>> -> memref<1x128x56xi32, #tpu.memory_space<hbm>>
      %dma_wait3A_517 = tpu.memref_squeeze %dma_wait3A_516 : memref<1x128x56xi32, #tpu.memory_space<hbm>> -> memref<128x56xi32, #tpu.memory_space<hbm>>
      tpu.wait_dma2 semaphore(%run_scoped3A : memref<!tpu.dma_semaphore, #tpu.memory_space<semaphore_mem>>) src(%dma_wait3A_517 : memref<128x56xi32, #tpu.memory_space<hbm>>) dst(%arg5 : memref<128x56xi32, #tpu.memory_space<vmem>>)
      tpu.yield
    }) : () -> ()
    %mul3A_1 = arith.constant 128 : i32
    %mul3A_2 = arith.muli %add3A, %mul3A_1 : i32
    %dma_start3A = arith.constant 0 : i32
    %dma_start3A_3 = arith.constant 0 : i32
    %dma_start3A_4 = arith.constant 0 : i32
    %dma_start3A_5 = arith.constant 0 : i32
    %dma_start3A_6 = tpu.memref_slice %arg6[%dma_start3A_3, %dma_start3A_4, %dma_start3A_5] : memref<4x56x128xf32, #tpu.memory_space<vmem>> -> memref<1x56x128xf32, #tpu.memory_space<vmem>>
    %dma_start3A_7 = tpu.memref_squeeze %dma_start3A_6 : memref<1x56x128xf32, #tpu.memory_space<vmem>> -> memref<56x128xf32, #tpu.memory_space<vmem>>
    %dma_start3A_8 = arith.constant 0 : i32
    %dma_start3A_9 = tpu.memref_slice %arg5[%dma_start3A, %dma_start3A_8] : memref<128x56xi32, #tpu.memory_space<vmem>> -> memref<1x56xi32, #tpu.memory_space<vmem>>
    %dma_start3A_10 = tpu.memref_squeeze %dma_start3A_9 : memref<1x56xi32, #tpu.memory_space<vmem>> -> memref<56xi32, #tpu.memory_space<vmem>>
    %dma_start3A_11 = arith.constant 0 : i32
    %dma_start3A_12 = arith.constant 0 : i32
    %dma_start3A_13 = tpu.memref_slice %arg3[%dma_start3A_11, %dma_start3A_12] : memref<100000x128xf32, #tpu.memory_space<hbm>> -> memref<100000x128xf32, #tpu.memory_space<hbm>>
    tpu.enqueue_indirect_dma source(%dma_start3A_13 : memref<100000x128xf32, #tpu.memory_space<hbm>>) target(%dma_start3A_7 : memref<56x128xf32, #tpu.memory_space<vmem>>) offsets(%dma_start3A_10 : memref<56xi32, #tpu.memory_space<vmem>>) semaphore(%arg7 : memref<!tpu.dma_semaphore, #tpu.memory_space<semaphore_mem>>)
    %dma_start3A_14 = arith.constant 1 : i32
    %dma_start3A_15 = arith.constant 1 : i32
    %dma_start3A_16 = arith.constant 0 : i32
    %dma_start3A_17 = arith.constant 0 : i32
    %dma_start3A_18 = tpu.memref_slice %arg6[%dma_start3A_15, %dma_start3A_16, %dma_start3A_17] : memref<4x56x128xf32, #tpu.memory_space<vmem>> -> memref<1x56x128xf32, #tpu.memory_space<vmem>>
    %dma_start3A_19 = tpu.memref_squeeze %dma_start3A_18 : memref<1x56x128xf32, #tpu.memory_space<vmem>> -> memref<56x128xf32, #tpu.memory_space<vmem>>
    %dma_start3A_20 = arith.constant 0 : i32
    %dma_start3A_21 = tpu.memref_slice %arg5[%dma_start3A_14, %dma_start3A_20] : memref<128x56xi32, #tpu.memory_space<vmem>> -> memref<1x56xi32, #tpu.memory_space<vmem>>
    %dma_start3A_22 = tpu.memref_squeeze %dma_start3A_21 : memref<1x56xi32, #tpu.memory_space<vmem>> -> memref<56xi32, #tpu.memory_space<vmem>>
    %dma_start3A_23 = arith.constant 0 : i32
    %dma_start3A_24 = arith.constant 0 : i32
    %dma_start3A_25 = tpu.memref_slice %arg3[%dma_start3A_23, %dma_start3A_24] : memref<100000x128xf32, #tpu.memory_space<hbm>> -> memref<100000x128xf32, #tpu.memory_space<hbm>>
    tpu.enqueue_indirect_dma source(%dma_start3A_25 : memref<100000x128xf32, #tpu.memory_space<hbm>>) target(%dma_start3A_19 : memref<56x128xf32, #tpu.memory_space<vmem>>) offsets(%dma_start3A_22 : memref<56xi32, #tpu.memory_space<vmem>>) semaphore(%arg8 : memref<!tpu.dma_semaphore, #tpu.memory_space<semaphore_mem>>)
    %dma_start3A_26 = arith.constant 2 : i32
    %dma_start3A_27 = arith.constant 2 : i32
    %dma_start3A_28 = arith.constant 0 : i32
    %dma_start3A_29 = arith.constant 0 : i32
    %dma_start3A_30 = tpu.memref_slice %arg6[%dma_start3A_27, %dma_start3A_28, %dma_start3A_29] : memref<4x56x128xf32, #tpu.memory_space<vmem>> -> memref<1x56x128xf32, #tpu.memory_space<vmem>>
    %dma_start3A_31 = tpu.memref_squeeze %dma_start3A_30 : memref<1x56x128xf32, #tpu.memory_space<vmem>> -> memref<56x128xf32, #tpu.memory_space<vmem>>
    %dma_start3A_32 = arith.constant 0 : i32
    %dma_start3A_33 = tpu.memref_slice %arg5[%dma_start3A_26, %dma_start3A_32] : memref<128x56xi32, #tpu.memory_space<vmem>> -> memref<1x56xi32, #tpu.memory_space<vmem>>
    %dma_start3A_34 = tpu.memref_squeeze %dma_start3A_33 : memref<1x56xi32, #tpu.memory_space<vmem>> -> memref<56xi32, #tpu.memory_space<vmem>>
    %dma_start3A_35 = arith.constant 0 : i32
    %dma_start3A_36 = arith.constant 0 : i32
    %dma_start3A_37 = tpu.memref_slice %arg3[%dma_start3A_35, %dma_start3A_36] : memref<100000x128xf32, #tpu.memory_space<hbm>> -> memref<100000x128xf32, #tpu.memory_space<hbm>>
    tpu.enqueue_indirect_dma source(%dma_start3A_37 : memref<100000x128xf32, #tpu.memory_space<hbm>>) target(%dma_start3A_31 : memref<56x128xf32, #tpu.memory_space<vmem>>) offsets(%dma_start3A_34 : memref<56xi32, #tpu.memory_space<vmem>>) semaphore(%arg9 : memref<!tpu.dma_semaphore, #tpu.memory_space<semaphore_mem>>)
    %dma_start3A_38 = arith.constant 3 : i32
    %dma_start3A_39 = arith.constant 3 : i32
    %dma_start3A_40 = arith.constant 0 : i32
    %dma_start3A_41 = arith.constant 0 : i32
    %dma_start3A_42 = tpu.memref_slice %arg6[%dma_start3A_39, %dma_start3A_40, %dma_start3A_41] : memref<4x56x128xf32, #tpu.memory_space<vmem>> -> memref<1x56x128xf32, #tpu.memory_space<vmem>>
    %dma_start3A_43 = tpu.memref_squeeze %dma_start3A_42 : memref<1x56x128xf32, #tpu.memory_space<vmem>> -> memref<56x128xf32, #tpu.memory_space<vmem>>
    %dma_start3A_44 = arith.constant 0 : i32
    %dma_start3A_45 = tpu.memref_slice %arg5[%dma_start3A_38, %dma_start3A_44] : memref<128x56xi32, #tpu.memory_space<vmem>> -> memref<1x56xi32, #tpu.memory_space<vmem>>
    %dma_start3A_46 = tpu.memref_squeeze %dma_start3A_45 : memref<1x56xi32, #tpu.memory_space<vmem>> -> memref<56xi32, #tpu.memory_space<vmem>>
    %dma_start3A_47 = arith.constant 0 : i32
    %dma_start3A_48 = arith.constant 0 : i32
    %dma_start3A_49 = tpu.memref_slice %arg3[%dma_start3A_47, %dma_start3A_48] : memref<100000x128xf32, #tpu.memory_space<hbm>> -> memref<100000x128xf32, #tpu.memory_space<hbm>>
    tpu.enqueue_indirect_dma source(%dma_start3A_49 : memref<100000x128xf32, #tpu.memory_space<hbm>>) target(%dma_start3A_43 : memref<56x128xf32, #tpu.memory_space<vmem>>) offsets(%dma_start3A_46 : memref<56xi32, #tpu.memory_space<vmem>>) semaphore(%arg10 : memref<!tpu.dma_semaphore, #tpu.memory_space<semaphore_mem>>)
    %dma_wait3A = arith.constant 0 : i32
    %dma_wait3A_50 = arith.constant 0 : i32
    %dma_wait3A_51 = arith.constant 0 : i32
    %dma_wait3A_52 = arith.constant 0 : i32
    %dma_wait3A_53 = tpu.memref_slice %arg6[%dma_wait3A_50, %dma_wait3A_51, %dma_wait3A_52] : memref<4x56x128xf32, #tpu.memory_space<vmem>> -> memref<1x56x128xf32, #tpu.memory_space<vmem>>
    %dma_wait3A_54 = tpu.memref_squeeze %dma_wait3A_53 : memref<1x56x128xf32, #tpu.memory_space<vmem>> -> memref<56x128xf32, #tpu.memory_space<vmem>>
    %dma_wait3A_55 = arith.constant 0 : i32
    %dma_wait3A_56 = tpu.memref_slice %arg5[%dma_wait3A, %dma_wait3A_55] : memref<128x56xi32, #tpu.memory_space<vmem>> -> memref<1x56xi32, #tpu.memory_space<vmem>>
    %dma_wait3A_57 = tpu.memref_squeeze %dma_wait3A_56 : memref<1x56xi32, #tpu.memory_space<vmem>> -> memref<56xi32, #tpu.memory_space<vmem>>
    %dma_wait3A_58 = arith.constant 0 : i32
    %dma_wait3A_59 = arith.constant 0 : i32
    %dma_wait3A_60 = tpu.memref_slice %arg3[%dma_wait3A_58, %dma_wait3A_59] : memref<100000x128xf32, #tpu.memory_space<hbm>> -> memref<100000x128xf32, #tpu.memory_space<hbm>>
    tpu.wait_indirect_dma semaphore(%arg7 : memref<!tpu.dma_semaphore, #tpu.memory_space<semaphore_mem>>) src(%dma_wait3A_60 : memref<100000x128xf32, #tpu.memory_space<hbm>>) dst(%dma_wait3A_54 : memref<56x128xf32, #tpu.memory_space<vmem>>)
    %add3A_61 = arith.constant 0 : i32
    %add3A_62 = arith.addi %mul3A_2, %add3A_61 : i32
    %dma_start3A_63 = arith.constant 0 : i32
    %dma_start3A_64 = arith.constant 0 : i32
    %dma_start3A_65 = arith.constant 0 : i32
    %dma_start3A_66 = tpu.memref_slice %arg6[%dma_start3A_63, %dma_start3A_64, %dma_start3A_65] : memref<4x56x128xf32, #tpu.memory_space<vmem>> -> memref<1x50x128xf32, #tpu.memory_space<vmem>>
    %dma_start3A_67 = tpu.memref_squeeze %dma_start3A_66 : memref<1x50x128xf32, #tpu.memory_space<vmem>> -> memref<50x128xf32, #tpu.memory_space<vmem>>
    %dma_start3A_68 = arith.constant 0 : i32
    %dma_start3A_69 = arith.constant 0 : i32
    %dma_start3A_70 = tpu.memref_slice %arg4[%add3A_62, %dma_start3A_68, %dma_start3A_69] : memref<4096x50x128xf32, #tpu.memory_space<hbm>> -> memref<1x50x128xf32, #tpu.memory_space<hbm>>
    %dma_start3A_71 = tpu.memref_squeeze %dma_start3A_70 : memref<1x50x128xf32, #tpu.memory_space<hbm>> -> memref<50x128xf32, #tpu.memory_space<hbm>>
    %dma_start3A_72 = arith.constant 0 : i32
    %dma_start3A_73 = arith.constant 0 : i32
    %dma_start3A_74 = tpu.memref_slice %arg4[%add3A_62, %dma_start3A_72, %dma_start3A_73] : memref<4096x50x128xf32, #tpu.memory_space<hbm>> -> memref<1x50x128xf32, #tpu.memory_space<hbm>>
    %dma_start3A_75 = tpu.memref_squeeze %dma_start3A_74 : memref<1x50x128xf32, #tpu.memory_space<hbm>> -> memref<50x128xf32, #tpu.memory_space<hbm>>
    %dma_start3A_76 = arith.constant 0 : i32
    %dma_start3A_77 = arith.constant 0 : i32
    %dma_start3A_78 = tpu.memref_slice %arg6[%dma_start3A_63, %dma_start3A_76, %dma_start3A_77] : memref<4x56x128xf32, #tpu.memory_space<vmem>> -> memref<1x50x128xf32, #tpu.memory_space<vmem>>
    %dma_start3A_79 = tpu.memref_squeeze %dma_start3A_78 : memref<1x50x128xf32, #tpu.memory_space<vmem>> -> memref<50x128xf32, #tpu.memory_space<vmem>>
    tpu.enqueue_dma source(%dma_start3A_79 : memref<50x128xf32, #tpu.memory_space<vmem>>) target(%dma_start3A_75 : memref<50x128xf32, #tpu.memory_space<hbm>>) target_semaphore(%arg11 : memref<!tpu.dma_semaphore, #tpu.memory_space<semaphore_mem>>)
    %add3A_80 = arith.constant 0 : i32
    %add3A_81 = arith.addi %mul3A_2, %add3A_80 : i32
    %dma_wait3A_82 = arith.constant 0 : i32
    %dma_wait3A_83 = arith.constant 0 : i32
    %dma_wait3A_84 = arith.constant 0 : i32
    %dma_wait3A_85 = tpu.memref_slice %arg6[%dma_wait3A_82, %dma_wait3A_83, %dma_wait3A_84] : memref<4x56x128xf32, #tpu.memory_space<vmem>> -> memref<1x50x128xf32, #tpu.memory_space<vmem>>
    %dma_wait3A_86 = tpu.memref_squeeze %dma_wait3A_85 : memref<1x50x128xf32, #tpu.memory_space<vmem>> -> memref<50x128xf32, #tpu.memory_space<vmem>>
    %dma_wait3A_87 = arith.constant 0 : i32
    %dma_wait3A_88 = arith.constant 0 : i32
    %dma_wait3A_89 = tpu.memref_slice %arg4[%add3A_81, %dma_wait3A_87, %dma_wait3A_88] : memref<4096x50x128xf32, #tpu.memory_space<hbm>> -> memref<1x50x128xf32, #tpu.memory_space<hbm>>
    %dma_wait3A_90 = tpu.memref_squeeze %dma_wait3A_89 : memref<1x50x128xf32, #tpu.memory_space<hbm>> -> memref<50x128xf32, #tpu.memory_space<hbm>>
    %dma_wait3A_91 = arith.constant 0 : i32
    %dma_wait3A_92 = arith.constant 0 : i32
    %dma_wait3A_93 = tpu.memref_slice %arg4[%add3A_81, %dma_wait3A_91, %dma_wait3A_92] : memref<4096x50x128xf32, #tpu.memory_space<hbm>> -> memref<1x50x128xf32, #tpu.memory_space<hbm>>
    %dma_wait3A_94 = tpu.memref_squeeze %dma_wait3A_93 : memref<1x50x128xf32, #tpu.memory_space<hbm>> -> memref<50x128xf32, #tpu.memory_space<hbm>>
    %dma_wait3A_95 = arith.constant 0 : i32
    %dma_wait3A_96 = arith.constant 0 : i32
    %dma_wait3A_97 = tpu.memref_slice %arg6[%dma_wait3A_82, %dma_wait3A_95, %dma_wait3A_96] : memref<4x56x128xf32, #tpu.memory_space<vmem>> -> memref<1x50x128xf32, #tpu.memory_space<vmem>>
    %dma_wait3A_98 = tpu.memref_squeeze %dma_wait3A_97 : memref<1x50x128xf32, #tpu.memory_space<vmem>> -> memref<50x128xf32, #tpu.memory_space<vmem>>
    tpu.wait_dma2 semaphore(%arg11 : memref<!tpu.dma_semaphore, #tpu.memory_space<semaphore_mem>>) src(%dma_wait3A_98 : memref<50x128xf32, #tpu.memory_space<vmem>>) dst(%dma_wait3A_94 : memref<50x128xf32, #tpu.memory_space<hbm>>)
    %dma_start3A_99 = arith.constant 4 : i32
    %dma_start3A_100 = arith.constant 0 : i32
    %dma_start3A_101 = arith.constant 0 : i32
    %dma_start3A_102 = arith.constant 0 : i32
    %dma_start3A_103 = tpu.memref_slice %arg6[%dma_start3A_100, %dma_start3A_101, %dma_start3A_102] : memref<4x56x128xf32, #tpu.memory_space<vmem>> -> memref<1x56x128xf32, #tpu.memory_space<vmem>>
    %dma_start3A_104 = tpu.memref_squeeze %dma_start3A_103 : memref<1x56x128xf32, #tpu.memory_space<vmem>> -> memref<56x128xf32, #tpu.memory_space<vmem>>
    %dma_start3A_105 = arith.constant 0 : i32
    %dma_start3A_106 = tpu.memref_slice %arg5[%dma_start3A_99, %dma_start3A_105] : memref<128x56xi32, #tpu.memory_space<vmem>> -> memref<1x56xi32, #tpu.memory_space<vmem>>
    %dma_start3A_107 = tpu.memref_squeeze %dma_start3A_106 : memref<1x56xi32, #tpu.memory_space<vmem>> -> memref<56xi32, #tpu.memory_space<vmem>>
    %dma_start3A_108 = arith.constant 0 : i32
    %dma_start3A_109 = arith.constant 0 : i32
    %dma_start3A_110 = tpu.memref_slice %arg3[%dma_start3A_108, %dma_start3A_109] : memref<100000x128xf32, #tpu.memory_space<hbm>> -> memref<100000x128xf32, #tpu.memory_space<hbm>>
    tpu.enqueue_indirect_dma source(%dma_start3A_110 : memref<100000x128xf32, #tpu.memory_space<hbm>>) target(%dma_start3A_104 : memref<56x128xf32, #tpu.memory_space<vmem>>) offsets(%dma_start3A_107 : memref<56xi32, #tpu.memory_space<vmem>>) semaphore(%arg7 : memref<!tpu.dma_semaphore, #tpu.memory_space<semaphore_mem>>)
    %dma_wait3A_111 = arith.constant 1 : i32
    %dma_wait3A_112 = arith.constant 1 : i32
    %dma_wait3A_113 = arith.constant 0 : i32
    %dma_wait3A_114 = arith.constant 0 : i32
    %dma_wait3A_115 = tpu.memref_slice %arg6[%dma_wait3A_112, %dma_wait3A_113, %dma_wait3A_114] : memref<4x56x128xf32, #tpu.memory_space<vmem>> -> memref<1x56x128xf32, #tpu.memory_space<vmem>>
    %dma_wait3A_116 = tpu.memref_squeeze %dma_wait3A_115 : memref<1x56x128xf32, #tpu.memory_space<vmem>> -> memref<56x128xf32, #tpu.memory_space<vmem>>
    %dma_wait3A_117 = arith.constant 0 : i32
    %dma_wait3A_118 = tpu.memref_slice %arg5[%dma_wait3A_111, %dma_wait3A_117] : memref<128x56xi32, #tpu.memory_space<vmem>> -> memref<1x56xi32, #tpu.memory_space<vmem>>
    %dma_wait3A_119 = tpu.memref_squeeze %dma_wait3A_118 : memref<1x56xi32, #tpu.memory_space<vmem>> -> memref<56xi32, #tpu.memory_space<vmem>>
    %dma_wait3A_120 = arith.constant 0 : i32
    %dma_wait3A_121 = arith.constant 0 : i32
    %dma_wait3A_122 = tpu.memref_slice %arg3[%dma_wait3A_120, %dma_wait3A_121] : memref<100000x128xf32, #tpu.memory_space<hbm>> -> memref<100000x128xf32, #tpu.memory_space<hbm>>
    tpu.wait_indirect_dma semaphore(%arg8 : memref<!tpu.dma_semaphore, #tpu.memory_space<semaphore_mem>>) src(%dma_wait3A_122 : memref<100000x128xf32, #tpu.memory_space<hbm>>) dst(%dma_wait3A_116 : memref<56x128xf32, #tpu.memory_space<vmem>>)
    %add3A_123 = arith.constant 1 : i32
    %add3A_124 = arith.addi %mul3A_2, %add3A_123 : i32
    %dma_start3A_125 = arith.constant 1 : i32
    %dma_start3A_126 = arith.constant 0 : i32
    %dma_start3A_127 = arith.constant 0 : i32
    %dma_start3A_128 = tpu.memref_slice %arg6[%dma_start3A_125, %dma_start3A_126, %dma_start3A_127] : memref<4x56x128xf32, #tpu.memory_space<vmem>> -> memref<1x50x128xf32, #tpu.memory_space<vmem>>
    %dma_start3A_129 = tpu.memref_squeeze %dma_start3A_128 : memref<1x50x128xf32, #tpu.memory_space<vmem>> -> memref<50x128xf32, #tpu.memory_space<vmem>>
    %dma_start3A_130 = arith.constant 0 : i32
    %dma_start3A_131 = arith.constant 0 : i32
    %dma_start3A_132 = tpu.memref_slice %arg4[%add3A_124, %dma_start3A_130, %dma_start3A_131] : memref<4096x50x128xf32, #tpu.memory_space<hbm>> -> memref<1x50x128xf32, #tpu.memory_space<hbm>>
    %dma_start3A_133 = tpu.memref_squeeze %dma_start3A_132 : memref<1x50x128xf32, #tpu.memory_space<hbm>> -> memref<50x128xf32, #tpu.memory_space<hbm>>
    %dma_start3A_134 = arith.constant 0 : i32
    %dma_start3A_135 = arith.constant 0 : i32
    %dma_start3A_136 = tpu.memref_slice %arg4[%add3A_124, %dma_start3A_134, %dma_start3A_135] : memref<4096x50x128xf32, #tpu.memory_space<hbm>> -> memref<1x50x128xf32, #tpu.memory_space<hbm>>
    %dma_start3A_137 = tpu.memref_squeeze %dma_start3A_136 : memref<1x50x128xf32, #tpu.memory_space<hbm>> -> memref<50x128xf32, #tpu.memory_space<hbm>>
    %dma_start3A_138 = arith.constant 0 : i32
    %dma_start3A_139 = arith.constant 0 : i32
    %dma_start3A_140 = tpu.memref_slice %arg6[%dma_start3A_125, %dma_start3A_138, %dma_start3A_139] : memref<4x56x128xf32, #tpu.memory_space<vmem>> -> memref<1x50x128xf32, #tpu.memory_space<vmem>>
    %dma_start3A_141 = tpu.memref_squeeze %dma_start3A_140 : memref<1x50x128xf32, #tpu.memory_space<vmem>> -> memref<50x128xf32, #tpu.memory_space<vmem>>
    tpu.enqueue_dma source(%dma_start3A_141 : memref<50x128xf32, #tpu.memory_space<vmem>>) target(%dma_start3A_137 : memref<50x128xf32, #tpu.memory_space<hbm>>) target_semaphore(%arg12 : memref<!tpu.dma_semaphore, #tpu.memory_space<semaphore_mem>>)
    %add3A_142 = arith.constant 1 : i32
    %add3A_143 = arith.addi %mul3A_2, %add3A_142 : i32
    %dma_wait3A_144 = arith.constant 1 : i32
    %dma_wait3A_145 = arith.constant 0 : i32
    %dma_wait3A_146 = arith.constant 0 : i32
    %dma_wait3A_147 = tpu.memref_slice %arg6[%dma_wait3A_144, %dma_wait3A_145, %dma_wait3A_146] : memref<4x56x128xf32, #tpu.memory_space<vmem>> -> memref<1x50x128xf32, #tpu.memory_space<vmem>>
    %dma_wait3A_148 = tpu.memref_squeeze %dma_wait3A_147 : memref<1x50x128xf32, #tpu.memory_space<vmem>> -> memref<50x128xf32, #tpu.memory_space<vmem>>
    %dma_wait3A_149 = arith.constant 0 : i32
    %dma_wait3A_150 = arith.constant 0 : i32
    %dma_wait3A_151 = tpu.memref_slice %arg4[%add3A_143, %dma_wait3A_149, %dma_wait3A_150] : memref<4096x50x128xf32, #tpu.memory_space<hbm>> -> memref<1x50x128xf32, #tpu.memory_space<hbm>>
    %dma_wait3A_152 = tpu.memref_squeeze %dma_wait3A_151 : memref<1x50x128xf32, #tpu.memory_space<hbm>> -> memref<50x128xf32, #tpu.memory_space<hbm>>
    %dma_wait3A_153 = arith.constant 0 : i32
    %dma_wait3A_154 = arith.constant 0 : i32
    %dma_wait3A_155 = tpu.memref_slice %arg4[%add3A_143, %dma_wait3A_153, %dma_wait3A_154] : memref<4096x50x128xf32, #tpu.memory_space<hbm>> -> memref<1x50x128xf32, #tpu.memory_space<hbm>>
    %dma_wait3A_156 = tpu.memref_squeeze %dma_wait3A_155 : memref<1x50x128xf32, #tpu.memory_space<hbm>> -> memref<50x128xf32, #tpu.memory_space<hbm>>
    %dma_wait3A_157 = arith.constant 0 : i32
    %dma_wait3A_158 = arith.constant 0 : i32
    %dma_wait3A_159 = tpu.memref_slice %arg6[%dma_wait3A_144, %dma_wait3A_157, %dma_wait3A_158] : memref<4x56x128xf32, #tpu.memory_space<vmem>> -> memref<1x50x128xf32, #tpu.memory_space<vmem>>
    %dma_wait3A_160 = tpu.memref_squeeze %dma_wait3A_159 : memref<1x50x128xf32, #tpu.memory_space<vmem>> -> memref<50x128xf32, #tpu.memory_space<vmem>>
    tpu.wait_dma2 semaphore(%arg12 : memref<!tpu.dma_semaphore, #tpu.memory_space<semaphore_mem>>) src(%dma_wait3A_160 : memref<50x128xf32, #tpu.memory_space<vmem>>) dst(%dma_wait3A_156 : memref<50x128xf32, #tpu.memory_space<hbm>>)
    %dma_start3A_161 = arith.constant 5 : i32
    %dma_start3A_162 = arith.constant 1 : i32
    %dma_start3A_163 = arith.constant 0 : i32
    %dma_start3A_164 = arith.constant 0 : i32
    %dma_start3A_165 = tpu.memref_slice %arg6[%dma_start3A_162, %dma_start3A_163, %dma_start3A_164] : memref<4x56x128xf32, #tpu.memory_space<vmem>> -> memref<1x56x128xf32, #tpu.memory_space<vmem>>
    %dma_start3A_166 = tpu.memref_squeeze %dma_start3A_165 : memref<1x56x128xf32, #tpu.memory_space<vmem>> -> memref<56x128xf32, #tpu.memory_space<vmem>>
    %dma_start3A_167 = arith.constant 0 : i32
    %dma_start3A_168 = tpu.memref_slice %arg5[%dma_start3A_161, %dma_start3A_167] : memref<128x56xi32, #tpu.memory_space<vmem>> -> memref<1x56xi32, #tpu.memory_space<vmem>>
    %dma_start3A_169 = tpu.memref_squeeze %dma_start3A_168 : memref<1x56xi32, #tpu.memory_space<vmem>> -> memref<56xi32, #tpu.memory_space<vmem>>
    %dma_start3A_170 = arith.constant 0 : i32
    %dma_start3A_171 = arith.constant 0 : i32
    %dma_start3A_172 = tpu.memref_slice %arg3[%dma_start3A_170, %dma_start3A_171] : memref<100000x128xf32, #tpu.memory_space<hbm>> -> memref<100000x128xf32, #tpu.memory_space<hbm>>
    tpu.enqueue_indirect_dma source(%dma_start3A_172 : memref<100000x128xf32, #tpu.memory_space<hbm>>) target(%dma_start3A_166 : memref<56x128xf32, #tpu.memory_space<vmem>>) offsets(%dma_start3A_169 : memref<56xi32, #tpu.memory_space<vmem>>) semaphore(%arg8 : memref<!tpu.dma_semaphore, #tpu.memory_space<semaphore_mem>>)
    %dma_wait3A_173 = arith.constant 2 : i32
    %dma_wait3A_174 = arith.constant 2 : i32
    %dma_wait3A_175 = arith.constant 0 : i32
    %dma_wait3A_176 = arith.constant 0 : i32
    %dma_wait3A_177 = tpu.memref_slice %arg6[%dma_wait3A_174, %dma_wait3A_175, %dma_wait3A_176] : memref<4x56x128xf32, #tpu.memory_space<vmem>> -> memref<1x56x128xf32, #tpu.memory_space<vmem>>
    %dma_wait3A_178 = tpu.memref_squeeze %dma_wait3A_177 : memref<1x56x128xf32, #tpu.memory_space<vmem>> -> memref<56x128xf32, #tpu.memory_space<vmem>>
    %dma_wait3A_179 = arith.constant 0 : i32
    %dma_wait3A_180 = tpu.memref_slice %arg5[%dma_wait3A_173, %dma_wait3A_179] : memref<128x56xi32, #tpu.memory_space<vmem>> -> memref<1x56xi32, #tpu.memory_space<vmem>>
    %dma_wait3A_181 = tpu.memref_squeeze %dma_wait3A_180 : memref<1x56xi32, #tpu.memory_space<vmem>> -> memref<56xi32, #tpu.memory_space<vmem>>
    %dma_wait3A_182 = arith.constant 0 : i32
    %dma_wait3A_183 = arith.constant 0 : i32
    %dma_wait3A_184 = tpu.memref_slice %arg3[%dma_wait3A_182, %dma_wait3A_183] : memref<100000x128xf32, #tpu.memory_space<hbm>> -> memref<100000x128xf32, #tpu.memory_space<hbm>>
    tpu.wait_indirect_dma semaphore(%arg9 : memref<!tpu.dma_semaphore, #tpu.memory_space<semaphore_mem>>) src(%dma_wait3A_184 : memref<100000x128xf32, #tpu.memory_space<hbm>>) dst(%dma_wait3A_178 : memref<56x128xf32, #tpu.memory_space<vmem>>)
    %add3A_185 = arith.constant 2 : i32
    %add3A_186 = arith.addi %mul3A_2, %add3A_185 : i32
    %dma_start3A_187 = arith.constant 2 : i32
    %dma_start3A_188 = arith.constant 0 : i32
    %dma_start3A_189 = arith.constant 0 : i32
    %dma_start3A_190 = tpu.memref_slice %arg6[%dma_start3A_187, %dma_start3A_188, %dma_start3A_189] : memref<4x56x128xf32, #tpu.memory_space<vmem>> -> memref<1x50x128xf32, #tpu.memory_space<vmem>>
    %dma_start3A_191 = tpu.memref_squeeze %dma_start3A_190 : memref<1x50x128xf32, #tpu.memory_space<vmem>> -> memref<50x128xf32, #tpu.memory_space<vmem>>
    %dma_start3A_192 = arith.constant 0 : i32
    %dma_start3A_193 = arith.constant 0 : i32
    %dma_start3A_194 = tpu.memref_slice %arg4[%add3A_186, %dma_start3A_192, %dma_start3A_193] : memref<4096x50x128xf32, #tpu.memory_space<hbm>> -> memref<1x50x128xf32, #tpu.memory_space<hbm>>
    %dma_start3A_195 = tpu.memref_squeeze %dma_start3A_194 : memref<1x50x128xf32, #tpu.memory_space<hbm>> -> memref<50x128xf32, #tpu.memory_space<hbm>>
    %dma_start3A_196 = arith.constant 0 : i32
    %dma_start3A_197 = arith.constant 0 : i32
    %dma_start3A_198 = tpu.memref_slice %arg4[%add3A_186, %dma_start3A_196, %dma_start3A_197] : memref<4096x50x128xf32, #tpu.memory_space<hbm>> -> memref<1x50x128xf32, #tpu.memory_space<hbm>>
    %dma_start3A_199 = tpu.memref_squeeze %dma_start3A_198 : memref<1x50x128xf32, #tpu.memory_space<hbm>> -> memref<50x128xf32, #tpu.memory_space<hbm>>
    %dma_start3A_200 = arith.constant 0 : i32
    %dma_start3A_201 = arith.constant 0 : i32
    %dma_start3A_202 = tpu.memref_slice %arg6[%dma_start3A_187, %dma_start3A_200, %dma_start3A_201] : memref<4x56x128xf32, #tpu.memory_space<vmem>> -> memref<1x50x128xf32, #tpu.memory_space<vmem>>
    %dma_start3A_203 = tpu.memref_squeeze %dma_start3A_202 : memref<1x50x128xf32, #tpu.memory_space<vmem>> -> memref<50x128xf32, #tpu.memory_space<vmem>>
    tpu.enqueue_dma source(%dma_start3A_203 : memref<50x128xf32, #tpu.memory_space<vmem>>) target(%dma_start3A_199 : memref<50x128xf32, #tpu.memory_space<hbm>>) target_semaphore(%arg13 : memref<!tpu.dma_semaphore, #tpu.memory_space<semaphore_mem>>)
    %add3A_204 = arith.constant 2 : i32
    %add3A_205 = arith.addi %mul3A_2, %add3A_204 : i32
    %dma_wait3A_206 = arith.constant 2 : i32
    %dma_wait3A_207 = arith.constant 0 : i32
    %dma_wait3A_208 = arith.constant 0 : i32
    %dma_wait3A_209 = tpu.memref_slice %arg6[%dma_wait3A_206, %dma_wait3A_207, %dma_wait3A_208] : memref<4x56x128xf32, #tpu.memory_space<vmem>> -> memref<1x50x128xf32, #tpu.memory_space<vmem>>
    %dma_wait3A_210 = tpu.memref_squeeze %dma_wait3A_209 : memref<1x50x128xf32, #tpu.memory_space<vmem>> -> memref<50x128xf32, #tpu.memory_space<vmem>>
    %dma_wait3A_211 = arith.constant 0 : i32
    %dma_wait3A_212 = arith.constant 0 : i32
    %dma_wait3A_213 = tpu.memref_slice %arg4[%add3A_205, %dma_wait3A_211, %dma_wait3A_212] : memref<4096x50x128xf32, #tpu.memory_space<hbm>> -> memref<1x50x128xf32, #tpu.memory_space<hbm>>
    %dma_wait3A_214 = tpu.memref_squeeze %dma_wait3A_213 : memref<1x50x128xf32, #tpu.memory_space<hbm>> -> memref<50x128xf32, #tpu.memory_space<hbm>>
    %dma_wait3A_215 = arith.constant 0 : i32
    %dma_wait3A_216 = arith.constant 0 : i32
    %dma_wait3A_217 = tpu.memref_slice %arg4[%add3A_205, %dma_wait3A_215, %dma_wait3A_216] : memref<4096x50x128xf32, #tpu.memory_space<hbm>> -> memref<1x50x128xf32, #tpu.memory_space<hbm>>
    %dma_wait3A_218 = tpu.memref_squeeze %dma_wait3A_217 : memref<1x50x128xf32, #tpu.memory_space<hbm>> -> memref<50x128xf32, #tpu.memory_space<hbm>>
    %dma_wait3A_219 = arith.constant 0 : i32
    %dma_wait3A_220 = arith.constant 0 : i32
    %dma_wait3A_221 = tpu.memref_slice %arg6[%dma_wait3A_206, %dma_wait3A_219, %dma_wait3A_220] : memref<4x56x128xf32, #tpu.memory_space<vmem>> -> memref<1x50x128xf32, #tpu.memory_space<vmem>>
    %dma_wait3A_222 = tpu.memref_squeeze %dma_wait3A_221 : memref<1x50x128xf32, #tpu.memory_space<vmem>> -> memref<50x128xf32, #tpu.memory_space<vmem>>
    tpu.wait_dma2 semaphore(%arg13 : memref<!tpu.dma_semaphore, #tpu.memory_space<semaphore_mem>>) src(%dma_wait3A_222 : memref<50x128xf32, #tpu.memory_space<vmem>>) dst(%dma_wait3A_218 : memref<50x128xf32, #tpu.memory_space<hbm>>)
    %dma_start3A_223 = arith.constant 6 : i32
    %dma_start3A_224 = arith.constant 2 : i32
    %dma_start3A_225 = arith.constant 0 : i32
    %dma_start3A_226 = arith.constant 0 : i32
    %dma_start3A_227 = tpu.memref_slice %arg6[%dma_start3A_224, %dma_start3A_225, %dma_start3A_226] : memref<4x56x128xf32, #tpu.memory_space<vmem>> -> memref<1x56x128xf32, #tpu.memory_space<vmem>>
    %dma_start3A_228 = tpu.memref_squeeze %dma_start3A_227 : memref<1x56x128xf32, #tpu.memory_space<vmem>> -> memref<56x128xf32, #tpu.memory_space<vmem>>
    %dma_start3A_229 = arith.constant 0 : i32
    %dma_start3A_230 = tpu.memref_slice %arg5[%dma_start3A_223, %dma_start3A_229] : memref<128x56xi32, #tpu.memory_space<vmem>> -> memref<1x56xi32, #tpu.memory_space<vmem>>
    %dma_start3A_231 = tpu.memref_squeeze %dma_start3A_230 : memref<1x56xi32, #tpu.memory_space<vmem>> -> memref<56xi32, #tpu.memory_space<vmem>>
    %dma_start3A_232 = arith.constant 0 : i32
    %dma_start3A_233 = arith.constant 0 : i32
    %dma_start3A_234 = tpu.memref_slice %arg3[%dma_start3A_232, %dma_start3A_233] : memref<100000x128xf32, #tpu.memory_space<hbm>> -> memref<100000x128xf32, #tpu.memory_space<hbm>>
    tpu.enqueue_indirect_dma source(%dma_start3A_234 : memref<100000x128xf32, #tpu.memory_space<hbm>>) target(%dma_start3A_228 : memref<56x128xf32, #tpu.memory_space<vmem>>) offsets(%dma_start3A_231 : memref<56xi32, #tpu.memory_space<vmem>>) semaphore(%arg9 : memref<!tpu.dma_semaphore, #tpu.memory_space<semaphore_mem>>)
    %dma_wait3A_235 = arith.constant 3 : i32
    %dma_wait3A_236 = arith.constant 3 : i32
    %dma_wait3A_237 = arith.constant 0 : i32
    %dma_wait3A_238 = arith.constant 0 : i32
    %dma_wait3A_239 = tpu.memref_slice %arg6[%dma_wait3A_236, %dma_wait3A_237, %dma_wait3A_238] : memref<4x56x128xf32, #tpu.memory_space<vmem>> -> memref<1x56x128xf32, #tpu.memory_space<vmem>>
    %dma_wait3A_240 = tpu.memref_squeeze %dma_wait3A_239 : memref<1x56x128xf32, #tpu.memory_space<vmem>> -> memref<56x128xf32, #tpu.memory_space<vmem>>
    %dma_wait3A_241 = arith.constant 0 : i32
    %dma_wait3A_242 = tpu.memref_slice %arg5[%dma_wait3A_235, %dma_wait3A_241] : memref<128x56xi32, #tpu.memory_space<vmem>> -> memref<1x56xi32, #tpu.memory_space<vmem>>
    %dma_wait3A_243 = tpu.memref_squeeze %dma_wait3A_242 : memref<1x56xi32, #tpu.memory_space<vmem>> -> memref<56xi32, #tpu.memory_space<vmem>>
    %dma_wait3A_244 = arith.constant 0 : i32
    %dma_wait3A_245 = arith.constant 0 : i32
    %dma_wait3A_246 = tpu.memref_slice %arg3[%dma_wait3A_244, %dma_wait3A_245] : memref<100000x128xf32, #tpu.memory_space<hbm>> -> memref<100000x128xf32, #tpu.memory_space<hbm>>
    tpu.wait_indirect_dma semaphore(%arg10 : memref<!tpu.dma_semaphore, #tpu.memory_space<semaphore_mem>>) src(%dma_wait3A_246 : memref<100000x128xf32, #tpu.memory_space<hbm>>) dst(%dma_wait3A_240 : memref<56x128xf32, #tpu.memory_space<vmem>>)
    %add3A_247 = arith.constant 3 : i32
    %add3A_248 = arith.addi %mul3A_2, %add3A_247 : i32
    %dma_start3A_249 = arith.constant 3 : i32
    %dma_start3A_250 = arith.constant 0 : i32
    %dma_start3A_251 = arith.constant 0 : i32
    %dma_start3A_252 = tpu.memref_slice %arg6[%dma_start3A_249, %dma_start3A_250, %dma_start3A_251] : memref<4x56x128xf32, #tpu.memory_space<vmem>> -> memref<1x50x128xf32, #tpu.memory_space<vmem>>
    %dma_start3A_253 = tpu.memref_squeeze %dma_start3A_252 : memref<1x50x128xf32, #tpu.memory_space<vmem>> -> memref<50x128xf32, #tpu.memory_space<vmem>>
    %dma_start3A_254 = arith.constant 0 : i32
    %dma_start3A_255 = arith.constant 0 : i32
    %dma_start3A_256 = tpu.memref_slice %arg4[%add3A_248, %dma_start3A_254, %dma_start3A_255] : memref<4096x50x128xf32, #tpu.memory_space<hbm>> -> memref<1x50x128xf32, #tpu.memory_space<hbm>>
    %dma_start3A_257 = tpu.memref_squeeze %dma_start3A_256 : memref<1x50x128xf32, #tpu.memory_space<hbm>> -> memref<50x128xf32, #tpu.memory_space<hbm>>
    %dma_start3A_258 = arith.constant 0 : i32
    %dma_start3A_259 = arith.constant 0 : i32
    %dma_start3A_260 = tpu.memref_slice %arg4[%add3A_248, %dma_start3A_258, %dma_start3A_259] : memref<4096x50x128xf32, #tpu.memory_space<hbm>> -> memref<1x50x128xf32, #tpu.memory_space<hbm>>
    %dma_start3A_261 = tpu.memref_squeeze %dma_start3A_260 : memref<1x50x128xf32, #tpu.memory_space<hbm>> -> memref<50x128xf32, #tpu.memory_space<hbm>>
    %dma_start3A_262 = arith.constant 0 : i32
    %dma_start3A_263 = arith.constant 0 : i32
    %dma_start3A_264 = tpu.memref_slice %arg6[%dma_start3A_249, %dma_start3A_262, %dma_start3A_263] : memref<4x56x128xf32, #tpu.memory_space<vmem>> -> memref<1x50x128xf32, #tpu.memory_space<vmem>>
    %dma_start3A_265 = tpu.memref_squeeze %dma_start3A_264 : memref<1x50x128xf32, #tpu.memory_space<vmem>> -> memref<50x128xf32, #tpu.memory_space<vmem>>
    tpu.enqueue_dma source(%dma_start3A_265 : memref<50x128xf32, #tpu.memory_space<vmem>>) target(%dma_start3A_261 : memref<50x128xf32, #tpu.memory_space<hbm>>) target_semaphore(%arg14 : memref<!tpu.dma_semaphore, #tpu.memory_space<semaphore_mem>>)
    %scan3A = arith.constant 0 : i32
    %scan3A_266 = arith.constant 1 : i32
    %scan3A_267 = arith.constant 30 : i32
    %scan3A_268 = arith.addi %scan3A_266, %scan3A_267 : i32
    %scan3A_269 = arith.constant 1 : i32
    scf.for %scan3A_502 = %scan3A_266 to %scan3A_268 step %scan3A_269  : i32 {
      %mul3A_503 = arith.constant 4 : i32
      %mul3A_504 = arith.muli %scan3A_502, %mul3A_503 : i32
      %add3A_505 = arith.constant 0 : i32
      %add3A_506 = arith.addi %mul3A_504, %add3A_505 : i32
      %sub3A = arith.constant 1 : i32
      %sub3A_507 = arith.subi %add3A_506, %sub3A : i32
      %add3A_508 = arith.addi %mul3A_2, %sub3A_507 : i32
      %dma_wait3A_509 = arith.constant 3 : i32
      %dma_wait3A_510 = arith.constant 0 : i32
      %dma_wait3A_511 = arith.constant 0 : i32
      %dma_wait3A_512 = tpu.memref_slice %arg6[%dma_wait3A_509, %dma_wait3A_510, %dma_wait3A_511] : memref<4x56x128xf32, #tpu.memory_space<vmem>> -> memref<1x50x128xf32, #tpu.memory_space<vmem>>
      %dma_wait3A_513 = tpu.memref_squeeze %dma_wait3A_512 : memref<1x50x128xf32, #tpu.memory_space<vmem>> -> memref<50x128xf32, #tpu.memory_space<vmem>>
      %dma_wait3A_514 = arith.constant 0 : i32
      %dma_wait3A_515 = arith.constant 0 : i32
      %dma_wait3A_516 = tpu.memref_slice %arg4[%add3A_508, %dma_wait3A_514, %dma_wait3A_515] : memref<4096x50x128xf32, #tpu.memory_space<hbm>> -> memref<1x50x128xf32, #tpu.memory_space<hbm>>
      %dma_wait3A_517 = tpu.memref_squeeze %dma_wait3A_516 : memref<1x50x128xf32, #tpu.memory_space<hbm>> -> memref<50x128xf32, #tpu.memory_space<hbm>>
      %dma_wait3A_518 = arith.constant 0 : i32
      %dma_wait3A_519 = arith.constant 0 : i32
      %dma_wait3A_520 = tpu.memref_slice %arg4[%add3A_508, %dma_wait3A_518, %dma_wait3A_519] : memref<4096x50x128xf32, #tpu.memory_space<hbm>> -> memref<1x50x128xf32, #tpu.memory_space<hbm>>
      %dma_wait3A_521 = tpu.memref_squeeze %dma_wait3A_520 : memref<1x50x128xf32, #tpu.memory_space<hbm>> -> memref<50x128xf32, #tpu.memory_space<hbm>>
      %dma_wait3A_522 = arith.constant 0 : i32
      %dma_wait3A_523 = arith.constant 0 : i32
      %dma_wait3A_524 = tpu.memref_slice %arg6[%dma_wait3A_509, %dma_wait3A_522, %dma_wait3A_523] : memref<4x56x128xf32, #tpu.memory_space<vmem>> -> memref<1x50x128xf32, #tpu.memory_space<vmem>>
      %dma_wait3A_525 = tpu.memref_squeeze %dma_wait3A_524 : memref<1x50x128xf32, #tpu.memory_space<vmem>> -> memref<50x128xf32, #tpu.memory_space<vmem>>
      tpu.wait_dma2 semaphore(%arg14 : memref<!tpu.dma_semaphore, #tpu.memory_space<semaphore_mem>>) src(%dma_wait3A_525 : memref<50x128xf32, #tpu.memory_space<vmem>>) dst(%dma_wait3A_521 : memref<50x128xf32, #tpu.memory_space<hbm>>)
      %add3A_526 = arith.constant 3 : i32
      %add3A_527 = arith.addi %add3A_506, %add3A_526 : i32
      %dma_start3A_528 = arith.constant 3 : i32
      %dma_start3A_529 = arith.constant 0 : i32
      %dma_start3A_530 = arith.constant 0 : i32
      %dma_start3A_531 = tpu.memref_slice %arg6[%dma_start3A_528, %dma_start3A_529, %dma_start3A_530] : memref<4x56x128xf32, #tpu.memory_space<vmem>> -> memref<1x56x128xf32, #tpu.memory_space<vmem>>
      %dma_start3A_532 = tpu.memref_squeeze %dma_start3A_531 : memref<1x56x128xf32, #tpu.memory_space<vmem>> -> memref<56x128xf32, #tpu.memory_space<vmem>>
      %dma_start3A_533 = arith.constant 0 : i32
      %dma_start3A_534 = tpu.memref_slice %arg5[%add3A_527, %dma_start3A_533] : memref<128x56xi32, #tpu.memory_space<vmem>> -> memref<1x56xi32, #tpu.memory_space<vmem>>
      %dma_start3A_535 = tpu.memref_squeeze %dma_start3A_534 : memref<1x56xi32, #tpu.memory_space<vmem>> -> memref<56xi32, #tpu.memory_space<vmem>>
      %dma_start3A_536 = arith.constant 0 : i32
      %dma_start3A_537 = arith.constant 0 : i32
      %dma_start3A_538 = tpu.memref_slice %arg3[%dma_start3A_536, %dma_start3A_537] : memref<100000x128xf32, #tpu.memory_space<hbm>> -> memref<100000x128xf32, #tpu.memory_space<hbm>>
      tpu.enqueue_indirect_dma source(%dma_start3A_538 : memref<100000x128xf32, #tpu.memory_space<hbm>>) target(%dma_start3A_532 : memref<56x128xf32, #tpu.memory_space<vmem>>) offsets(%dma_start3A_535 : memref<56xi32, #tpu.memory_space<vmem>>) semaphore(%arg10 : memref<!tpu.dma_semaphore, #tpu.memory_space<semaphore_mem>>)
      %dma_wait3A_539 = arith.constant 0 : i32
      %dma_wait3A_540 = arith.constant 0 : i32
      %dma_wait3A_541 = arith.constant 0 : i32
      %dma_wait3A_542 = tpu.memref_slice %arg6[%dma_wait3A_539, %dma_wait3A_540, %dma_wait3A_541] : memref<4x56x128xf32, #tpu.memory_space<vmem>> -> memref<1x56x128xf32, #tpu.memory_space<vmem>>
      %dma_wait3A_543 = tpu.memref_squeeze %dma_wait3A_542 : memref<1x56x128xf32, #tpu.memory_space<vmem>> -> memref<56x128xf32, #tpu.memory_space<vmem>>
      %dma_wait3A_544 = arith.constant 0 : i32
      %dma_wait3A_545 = tpu.memref_slice %arg5[%add3A_506, %dma_wait3A_544] : memref<128x56xi32, #tpu.memory_space<vmem>> -> memref<1x56xi32, #tpu.memory_space<vmem>>
      %dma_wait3A_546 = tpu.memref_squeeze %dma_wait3A_545 : memref<1x56xi32, #tpu.memory_space<vmem>> -> memref<56xi32, #tpu.memory_space<vmem>>
      %dma_wait3A_547 = arith.constant 0 : i32
      %dma_wait3A_548 = arith.constant 0 : i32
      %dma_wait3A_549 = tpu.memref_slice %arg3[%dma_wait3A_547, %dma_wait3A_548] : memref<100000x128xf32, #tpu.memory_space<hbm>> -> memref<100000x128xf32, #tpu.memory_space<hbm>>
      tpu.wait_indirect_dma semaphore(%arg7 : memref<!tpu.dma_semaphore, #tpu.memory_space<semaphore_mem>>) src(%dma_wait3A_549 : memref<100000x128xf32, #tpu.memory_space<hbm>>) dst(%dma_wait3A_543 : memref<56x128xf32, #tpu.memory_space<vmem>>)
      %add3A_550 = arith.addi %mul3A_2, %add3A_506 : i32
      %dma_start3A_551 = arith.constant 0 : i32
      %dma_start3A_552 = arith.constant 0 : i32
      %dma_start3A_553 = arith.constant 0 : i32
      %dma_start3A_554 = tpu.memref_slice %arg6[%dma_start3A_551, %dma_start3A_552, %dma_start3A_553] : memref<4x56x128xf32, #tpu.memory_space<vmem>> -> memref<1x50x128xf32, #tpu.memory_space<vmem>>
      %dma_start3A_555 = tpu.memref_squeeze %dma_start3A_554 : memref<1x50x128xf32, #tpu.memory_space<vmem>> -> memref<50x128xf32, #tpu.memory_space<vmem>>
      %dma_start3A_556 = arith.constant 0 : i32
      %dma_start3A_557 = arith.constant 0 : i32
      %dma_start3A_558 = tpu.memref_slice %arg4[%add3A_550, %dma_start3A_556, %dma_start3A_557] : memref<4096x50x128xf32, #tpu.memory_space<hbm>> -> memref<1x50x128xf32, #tpu.memory_space<hbm>>
      %dma_start3A_559 = tpu.memref_squeeze %dma_start3A_558 : memref<1x50x128xf32, #tpu.memory_space<hbm>> -> memref<50x128xf32, #tpu.memory_space<hbm>>
      %dma_start3A_560 = arith.constant 0 : i32
      %dma_start3A_561 = arith.constant 0 : i32
      %dma_start3A_562 = tpu.memref_slice %arg4[%add3A_550, %dma_start3A_560, %dma_start3A_561] : memref<4096x50x128xf32, #tpu.memory_space<hbm>> -> memref<1x50x128xf32, #tpu.memory_space<hbm>>
      %dma_start3A_563 = tpu.memref_squeeze %dma_start3A_562 : memref<1x50x128xf32, #tpu.memory_space<hbm>> -> memref<50x128xf32, #tpu.memory_space<hbm>>
      %dma_start3A_564 = arith.constant 0 : i32
      %dma_start3A_565 = arith.constant 0 : i32
      %dma_start3A_566 = tpu.memref_slice %arg6[%dma_start3A_551, %dma_start3A_564, %dma_start3A_565] : memref<4x56x128xf32, #tpu.memory_space<vmem>> -> memref<1x50x128xf32, #tpu.memory_space<vmem>>
      %dma_start3A_567 = tpu.memref_squeeze %dma_start3A_566 : memref<1x50x128xf32, #tpu.memory_space<vmem>> -> memref<50x128xf32, #tpu.memory_space<vmem>>
      tpu.enqueue_dma source(%dma_start3A_567 : memref<50x128xf32, #tpu.memory_space<vmem>>) target(%dma_start3A_563 : memref<50x128xf32, #tpu.memory_space<hbm>>) target_semaphore(%arg11 : memref<!tpu.dma_semaphore, #tpu.memory_space<semaphore_mem>>)
      %mul3A_568 = arith.constant 4 : i32
      %mul3A_569 = arith.muli %scan3A_502, %mul3A_568 : i32
      %add3A_570 = arith.constant 1 : i32
      %add3A_571 = arith.addi %mul3A_569, %add3A_570 : i32
      %sub3A_572 = arith.constant 1 : i32
      %sub3A_573 = arith.subi %add3A_571, %sub3A_572 : i32
      %add3A_574 = arith.addi %mul3A_2, %sub3A_573 : i32
      %dma_wait3A_575 = arith.constant 0 : i32
      %dma_wait3A_576 = arith.constant 0 : i32
      %dma_wait3A_577 = arith.constant 0 : i32
      %dma_wait3A_578 = tpu.memref_slice %arg6[%dma_wait3A_575, %dma_wait3A_576, %dma_wait3A_577] : memref<4x56x128xf32, #tpu.memory_space<vmem>> -> memref<1x50x128xf32, #tpu.memory_space<vmem>>
      %dma_wait3A_579 = tpu.memref_squeeze %dma_wait3A_578 : memref<1x50x128xf32, #tpu.memory_space<vmem>> -> memref<50x128xf32, #tpu.memory_space<vmem>>
      %dma_wait3A_580 = arith.constant 0 : i32
      %dma_wait3A_581 = arith.constant 0 : i32
      %dma_wait3A_582 = tpu.memref_slice %arg4[%add3A_574, %dma_wait3A_580, %dma_wait3A_581] : memref<4096x50x128xf32, #tpu.memory_space<hbm>> -> memref<1x50x128xf32, #tpu.memory_space<hbm>>
      %dma_wait3A_583 = tpu.memref_squeeze %dma_wait3A_582 : memref<1x50x128xf32, #tpu.memory_space<hbm>> -> memref<50x128xf32, #tpu.memory_space<hbm>>
      %dma_wait3A_584 = arith.constant 0 : i32
      %dma_wait3A_585 = arith.constant 0 : i32
      %dma_wait3A_586 = tpu.memref_slice %arg4[%add3A_574, %dma_wait3A_584, %dma_wait3A_585] : memref<4096x50x128xf32, #tpu.memory_space<hbm>> -> memref<1x50x128xf32, #tpu.memory_space<hbm>>
      %dma_wait3A_587 = tpu.memref_squeeze %dma_wait3A_586 : memref<1x50x128xf32, #tpu.memory_space<hbm>> -> memref<50x128xf32, #tpu.memory_space<hbm>>
      %dma_wait3A_588 = arith.constant 0 : i32
      %dma_wait3A_589 = arith.constant 0 : i32
      %dma_wait3A_590 = tpu.memref_slice %arg6[%dma_wait3A_575, %dma_wait3A_588, %dma_wait3A_589] : memref<4x56x128xf32, #tpu.memory_space<vmem>> -> memref<1x50x128xf32, #tpu.memory_space<vmem>>
      %dma_wait3A_591 = tpu.memref_squeeze %dma_wait3A_590 : memref<1x50x128xf32, #tpu.memory_space<vmem>> -> memref<50x128xf32, #tpu.memory_space<vmem>>
      tpu.wait_dma2 semaphore(%arg11 : memref<!tpu.dma_semaphore, #tpu.memory_space<semaphore_mem>>) src(%dma_wait3A_591 : memref<50x128xf32, #tpu.memory_space<vmem>>) dst(%dma_wait3A_587 : memref<50x128xf32, #tpu.memory_space<hbm>>)
      %add3A_592 = arith.constant 3 : i32
      %add3A_593 = arith.addi %add3A_571, %add3A_592 : i32
      %dma_start3A_594 = arith.constant 0 : i32
      %dma_start3A_595 = arith.constant 0 : i32
      %dma_start3A_596 = arith.constant 0 : i32
      %dma_start3A_597 = tpu.memref_slice %arg6[%dma_start3A_594, %dma_start3A_595, %dma_start3A_596] : memref<4x56x128xf32, #tpu.memory_space<vmem>> -> memref<1x56x128xf32, #tpu.memory_space<vmem>>
      %dma_start3A_598 = tpu.memref_squeeze %dma_start3A_597 : memref<1x56x128xf32, #tpu.memory_space<vmem>> -> memref<56x128xf32, #tpu.memory_space<vmem>>
      %dma_start3A_599 = arith.constant 0 : i32
      %dma_start3A_600 = tpu.memref_slice %arg5[%add3A_593, %dma_start3A_599] : memref<128x56xi32, #tpu.memory_space<vmem>> -> memref<1x56xi32, #tpu.memory_space<vmem>>
      %dma_start3A_601 = tpu.memref_squeeze %dma_start3A_600 : memref<1x56xi32, #tpu.memory_space<vmem>> -> memref<56xi32, #tpu.memory_space<vmem>>
      %dma_start3A_602 = arith.constant 0 : i32
      %dma_start3A_603 = arith.constant 0 : i32
      %dma_start3A_604 = tpu.memref_slice %arg3[%dma_start3A_602, %dma_start3A_603] : memref<100000x128xf32, #tpu.memory_space<hbm>> -> memref<100000x128xf32, #tpu.memory_space<hbm>>
      tpu.enqueue_indirect_dma source(%dma_start3A_604 : memref<100000x128xf32, #tpu.memory_space<hbm>>) target(%dma_start3A_598 : memref<56x128xf32, #tpu.memory_space<vmem>>) offsets(%dma_start3A_601 : memref<56xi32, #tpu.memory_space<vmem>>) semaphore(%arg7 : memref<!tpu.dma_semaphore, #tpu.memory_space<semaphore_mem>>)
      %dma_wait3A_605 = arith.constant 1 : i32
      %dma_wait3A_606 = arith.constant 0 : i32
      %dma_wait3A_607 = arith.constant 0 : i32
      %dma_wait3A_608 = tpu.memref_slice %arg6[%dma_wait3A_605, %dma_wait3A_606, %dma_wait3A_607] : memref<4x56x128xf32, #tpu.memory_space<vmem>> -> memref<1x56x128xf32, #tpu.memory_space<vmem>>
      %dma_wait3A_609 = tpu.memref_squeeze %dma_wait3A_608 : memref<1x56x128xf32, #tpu.memory_space<vmem>> -> memref<56x128xf32, #tpu.memory_space<vmem>>
      %dma_wait3A_610 = arith.constant 0 : i32
      %dma_wait3A_611 = tpu.memref_slice %arg5[%add3A_571, %dma_wait3A_610] : memref<128x56xi32, #tpu.memory_space<vmem>> -> memref<1x56xi32, #tpu.memory_space<vmem>>
      %dma_wait3A_612 = tpu.memref_squeeze %dma_wait3A_611 : memref<1x56xi32, #tpu.memory_space<vmem>> -> memref<56xi32, #tpu.memory_space<vmem>>
      %dma_wait3A_613 = arith.constant 0 : i32
      %dma_wait3A_614 = arith.constant 0 : i32
      %dma_wait3A_615 = tpu.memref_slice %arg3[%dma_wait3A_613, %dma_wait3A_614] : memref<100000x128xf32, #tpu.memory_space<hbm>> -> memref<100000x128xf32, #tpu.memory_space<hbm>>
      tpu.wait_indirect_dma semaphore(%arg8 : memref<!tpu.dma_semaphore, #tpu.memory_space<semaphore_mem>>) src(%dma_wait3A_615 : memref<100000x128xf32, #tpu.memory_space<hbm>>) dst(%dma_wait3A_609 : memref<56x128xf32, #tpu.memory_space<vmem>>)
      %add3A_616 = arith.addi %mul3A_2, %add3A_571 : i32
      %dma_start3A_617 = arith.constant 1 : i32
      %dma_start3A_618 = arith.constant 0 : i32
      %dma_start3A_619 = arith.constant 0 : i32
      %dma_start3A_620 = tpu.memref_slice %arg6[%dma_start3A_617, %dma_start3A_618, %dma_start3A_619] : memref<4x56x128xf32, #tpu.memory_space<vmem>> -> memref<1x50x128xf32, #tpu.memory_space<vmem>>
      %dma_start3A_621 = tpu.memref_squeeze %dma_start3A_620 : memref<1x50x128xf32, #tpu.memory_space<vmem>> -> memref<50x128xf32, #tpu.memory_space<vmem>>
      %dma_start3A_622 = arith.constant 0 : i32
      %dma_start3A_623 = arith.constant 0 : i32
      %dma_start3A_624 = tpu.memref_slice %arg4[%add3A_616, %dma_start3A_622, %dma_start3A_623] : memref<4096x50x128xf32, #tpu.memory_space<hbm>> -> memref<1x50x128xf32, #tpu.memory_space<hbm>>
      %dma_start3A_625 = tpu.memref_squeeze %dma_start3A_624 : memref<1x50x128xf32, #tpu.memory_space<hbm>> -> memref<50x128xf32, #tpu.memory_space<hbm>>
      %dma_start3A_626 = arith.constant 0 : i32
      %dma_start3A_627 = arith.constant 0 : i32
      %dma_start3A_628 = tpu.memref_slice %arg4[%add3A_616, %dma_start3A_626, %dma_start3A_627] : memref<4096x50x128xf32, #tpu.memory_space<hbm>> -> memref<1x50x128xf32, #tpu.memory_space<hbm>>
      %dma_start3A_629 = tpu.memref_squeeze %dma_start3A_628 : memref<1x50x128xf32, #tpu.memory_space<hbm>> -> memref<50x128xf32, #tpu.memory_space<hbm>>
      %dma_start3A_630 = arith.constant 0 : i32
      %dma_start3A_631 = arith.constant 0 : i32
      %dma_start3A_632 = tpu.memref_slice %arg6[%dma_start3A_617, %dma_start3A_630, %dma_start3A_631] : memref<4x56x128xf32, #tpu.memory_space<vmem>> -> memref<1x50x128xf32, #tpu.memory_space<vmem>>
      %dma_start3A_633 = tpu.memref_squeeze %dma_start3A_632 : memref<1x50x128xf32, #tpu.memory_space<vmem>> -> memref<50x128xf32, #tpu.memory_space<vmem>>
      tpu.enqueue_dma source(%dma_start3A_633 : memref<50x128xf32, #tpu.memory_space<vmem>>) target(%dma_start3A_629 : memref<50x128xf32, #tpu.memory_space<hbm>>) target_semaphore(%arg12 : memref<!tpu.dma_semaphore, #tpu.memory_space<semaphore_mem>>)
      %mul3A_634 = arith.constant 4 : i32
      %mul3A_635 = arith.muli %scan3A_502, %mul3A_634 : i32
      %add3A_636 = arith.constant 2 : i32
      %add3A_637 = arith.addi %mul3A_635, %add3A_636 : i32
      %sub3A_638 = arith.constant 1 : i32
      %sub3A_639 = arith.subi %add3A_637, %sub3A_638 : i32
      %add3A_640 = arith.addi %mul3A_2, %sub3A_639 : i32
      %dma_wait3A_641 = arith.constant 1 : i32
      %dma_wait3A_642 = arith.constant 0 : i32
      %dma_wait3A_643 = arith.constant 0 : i32
      %dma_wait3A_644 = tpu.memref_slice %arg6[%dma_wait3A_641, %dma_wait3A_642, %dma_wait3A_643] : memref<4x56x128xf32, #tpu.memory_space<vmem>> -> memref<1x50x128xf32, #tpu.memory_space<vmem>>
      %dma_wait3A_645 = tpu.memref_squeeze %dma_wait3A_644 : memref<1x50x128xf32, #tpu.memory_space<vmem>> -> memref<50x128xf32, #tpu.memory_space<vmem>>
      %dma_wait3A_646 = arith.constant 0 : i32
      %dma_wait3A_647 = arith.constant 0 : i32
      %dma_wait3A_648 = tpu.memref_slice %arg4[%add3A_640, %dma_wait3A_646, %dma_wait3A_647] : memref<4096x50x128xf32, #tpu.memory_space<hbm>> -> memref<1x50x128xf32, #tpu.memory_space<hbm>>
      %dma_wait3A_649 = tpu.memref_squeeze %dma_wait3A_648 : memref<1x50x128xf32, #tpu.memory_space<hbm>> -> memref<50x128xf32, #tpu.memory_space<hbm>>
      %dma_wait3A_650 = arith.constant 0 : i32
      %dma_wait3A_651 = arith.constant 0 : i32
      %dma_wait3A_652 = tpu.memref_slice %arg4[%add3A_640, %dma_wait3A_650, %dma_wait3A_651] : memref<4096x50x128xf32, #tpu.memory_space<hbm>> -> memref<1x50x128xf32, #tpu.memory_space<hbm>>
      %dma_wait3A_653 = tpu.memref_squeeze %dma_wait3A_652 : memref<1x50x128xf32, #tpu.memory_space<hbm>> -> memref<50x128xf32, #tpu.memory_space<hbm>>
      %dma_wait3A_654 = arith.constant 0 : i32
      %dma_wait3A_655 = arith.constant 0 : i32
      %dma_wait3A_656 = tpu.memref_slice %arg6[%dma_wait3A_641, %dma_wait3A_654, %dma_wait3A_655] : memref<4x56x128xf32, #tpu.memory_space<vmem>> -> memref<1x50x128xf32, #tpu.memory_space<vmem>>
      %dma_wait3A_657 = tpu.memref_squeeze %dma_wait3A_656 : memref<1x50x128xf32, #tpu.memory_space<vmem>> -> memref<50x128xf32, #tpu.memory_space<vmem>>
      tpu.wait_dma2 semaphore(%arg12 : memref<!tpu.dma_semaphore, #tpu.memory_space<semaphore_mem>>) src(%dma_wait3A_657 : memref<50x128xf32, #tpu.memory_space<vmem>>) dst(%dma_wait3A_653 : memref<50x128xf32, #tpu.memory_space<hbm>>)
      %add3A_658 = arith.constant 3 : i32
      %add3A_659 = arith.addi %add3A_637, %add3A_658 : i32
      %dma_start3A_660 = arith.constant 1 : i32
      %dma_start3A_661 = arith.constant 0 : i32
      %dma_start3A_662 = arith.constant 0 : i32
      %dma_start3A_663 = tpu.memref_slice %arg6[%dma_start3A_660, %dma_start3A_661, %dma_start3A_662] : memref<4x56x128xf32, #tpu.memory_space<vmem>> -> memref<1x56x128xf32, #tpu.memory_space<vmem>>
      %dma_start3A_664 = tpu.memref_squeeze %dma_start3A_663 : memref<1x56x128xf32, #tpu.memory_space<vmem>> -> memref<56x128xf32, #tpu.memory_space<vmem>>
      %dma_start3A_665 = arith.constant 0 : i32
      %dma_start3A_666 = tpu.memref_slice %arg5[%add3A_659, %dma_start3A_665] : memref<128x56xi32, #tpu.memory_space<vmem>> -> memref<1x56xi32, #tpu.memory_space<vmem>>
      %dma_start3A_667 = tpu.memref_squeeze %dma_start3A_666 : memref<1x56xi32, #tpu.memory_space<vmem>> -> memref<56xi32, #tpu.memory_space<vmem>>
      %dma_start3A_668 = arith.constant 0 : i32
      %dma_start3A_669 = arith.constant 0 : i32
      %dma_start3A_670 = tpu.memref_slice %arg3[%dma_start3A_668, %dma_start3A_669] : memref<100000x128xf32, #tpu.memory_space<hbm>> -> memref<100000x128xf32, #tpu.memory_space<hbm>>
      tpu.enqueue_indirect_dma source(%dma_start3A_670 : memref<100000x128xf32, #tpu.memory_space<hbm>>) target(%dma_start3A_664 : memref<56x128xf32, #tpu.memory_space<vmem>>) offsets(%dma_start3A_667 : memref<56xi32, #tpu.memory_space<vmem>>) semaphore(%arg8 : memref<!tpu.dma_semaphore, #tpu.memory_space<semaphore_mem>>)
      %dma_wait3A_671 = arith.constant 2 : i32
      %dma_wait3A_672 = arith.constant 0 : i32
      %dma_wait3A_673 = arith.constant 0 : i32
      %dma_wait3A_674 = tpu.memref_slice %arg6[%dma_wait3A_671, %dma_wait3A_672, %dma_wait3A_673] : memref<4x56x128xf32, #tpu.memory_space<vmem>> -> memref<1x56x128xf32, #tpu.memory_space<vmem>>
      %dma_wait3A_675 = tpu.memref_squeeze %dma_wait3A_674 : memref<1x56x128xf32, #tpu.memory_space<vmem>> -> memref<56x128xf32, #tpu.memory_space<vmem>>
      %dma_wait3A_676 = arith.constant 0 : i32
      %dma_wait3A_677 = tpu.memref_slice %arg5[%add3A_637, %dma_wait3A_676] : memref<128x56xi32, #tpu.memory_space<vmem>> -> memref<1x56xi32, #tpu.memory_space<vmem>>
      %dma_wait3A_678 = tpu.memref_squeeze %dma_wait3A_677 : memref<1x56xi32, #tpu.memory_space<vmem>> -> memref<56xi32, #tpu.memory_space<vmem>>
      %dma_wait3A_679 = arith.constant 0 : i32
      %dma_wait3A_680 = arith.constant 0 : i32
      %dma_wait3A_681 = tpu.memref_slice %arg3[%dma_wait3A_679, %dma_wait3A_680] : memref<100000x128xf32, #tpu.memory_space<hbm>> -> memref<100000x128xf32, #tpu.memory_space<hbm>>
      tpu.wait_indirect_dma semaphore(%arg9 : memref<!tpu.dma_semaphore, #tpu.memory_space<semaphore_mem>>) src(%dma_wait3A_681 : memref<100000x128xf32, #tpu.memory_space<hbm>>) dst(%dma_wait3A_675 : memref<56x128xf32, #tpu.memory_space<vmem>>)
      %add3A_682 = arith.addi %mul3A_2, %add3A_637 : i32
      %dma_start3A_683 = arith.constant 2 : i32
      %dma_start3A_684 = arith.constant 0 : i32
      %dma_start3A_685 = arith.constant 0 : i32
      %dma_start3A_686 = tpu.memref_slice %arg6[%dma_start3A_683, %dma_start3A_684, %dma_start3A_685] : memref<4x56x128xf32, #tpu.memory_space<vmem>> -> memref<1x50x128xf32, #tpu.memory_space<vmem>>
      %dma_start3A_687 = tpu.memref_squeeze %dma_start3A_686 : memref<1x50x128xf32, #tpu.memory_space<vmem>> -> memref<50x128xf32, #tpu.memory_space<vmem>>
      %dma_start3A_688 = arith.constant 0 : i32
      %dma_start3A_689 = arith.constant 0 : i32
      %dma_start3A_690 = tpu.memref_slice %arg4[%add3A_682, %dma_start3A_688, %dma_start3A_689] : memref<4096x50x128xf32, #tpu.memory_space<hbm>> -> memref<1x50x128xf32, #tpu.memory_space<hbm>>
      %dma_start3A_691 = tpu.memref_squeeze %dma_start3A_690 : memref<1x50x128xf32, #tpu.memory_space<hbm>> -> memref<50x128xf32, #tpu.memory_space<hbm>>
      %dma_start3A_692 = arith.constant 0 : i32
      %dma_start3A_693 = arith.constant 0 : i32
      %dma_start3A_694 = tpu.memref_slice %arg4[%add3A_682, %dma_start3A_692, %dma_start3A_693] : memref<4096x50x128xf32, #tpu.memory_space<hbm>> -> memref<1x50x128xf32, #tpu.memory_space<hbm>>
      %dma_start3A_695 = tpu.memref_squeeze %dma_start3A_694 : memref<1x50x128xf32, #tpu.memory_space<hbm>> -> memref<50x128xf32, #tpu.memory_space<hbm>>
      %dma_start3A_696 = arith.constant 0 : i32
      %dma_start3A_697 = arith.constant 0 : i32
      %dma_start3A_698 = tpu.memref_slice %arg6[%dma_start3A_683, %dma_start3A_696, %dma_start3A_697] : memref<4x56x128xf32, #tpu.memory_space<vmem>> -> memref<1x50x128xf32, #tpu.memory_space<vmem>>
      %dma_start3A_699 = tpu.memref_squeeze %dma_start3A_698 : memref<1x50x128xf32, #tpu.memory_space<vmem>> -> memref<50x128xf32, #tpu.memory_space<vmem>>
      tpu.enqueue_dma source(%dma_start3A_699 : memref<50x128xf32, #tpu.memory_space<vmem>>) target(%dma_start3A_695 : memref<50x128xf32, #tpu.memory_space<hbm>>) target_semaphore(%arg13 : memref<!tpu.dma_semaphore, #tpu.memory_space<semaphore_mem>>)
      %mul3A_700 = arith.constant 4 : i32
      %mul3A_701 = arith.muli %scan3A_502, %mul3A_700 : i32
      %add3A_702 = arith.constant 3 : i32
      %add3A_703 = arith.addi %mul3A_701, %add3A_702 : i32
      %sub3A_704 = arith.constant 1 : i32
      %sub3A_705 = arith.subi %add3A_703, %sub3A_704 : i32
      %add3A_706 = arith.addi %mul3A_2, %sub3A_705 : i32
      %dma_wait3A_707 = arith.constant 2 : i32
      %dma_wait3A_708 = arith.constant 0 : i32
      %dma_wait3A_709 = arith.constant 0 : i32
      %dma_wait3A_710 = tpu.memref_slice %arg6[%dma_wait3A_707, %dma_wait3A_708, %dma_wait3A_709] : memref<4x56x128xf32, #tpu.memory_space<vmem>> -> memref<1x50x128xf32, #tpu.memory_space<vmem>>
      %dma_wait3A_711 = tpu.memref_squeeze %dma_wait3A_710 : memref<1x50x128xf32, #tpu.memory_space<vmem>> -> memref<50x128xf32, #tpu.memory_space<vmem>>
      %dma_wait3A_712 = arith.constant 0 : i32
      %dma_wait3A_713 = arith.constant 0 : i32
      %dma_wait3A_714 = tpu.memref_slice %arg4[%add3A_706, %dma_wait3A_712, %dma_wait3A_713] : memref<4096x50x128xf32, #tpu.memory_space<hbm>> -> memref<1x50x128xf32, #tpu.memory_space<hbm>>
      %dma_wait3A_715 = tpu.memref_squeeze %dma_wait3A_714 : memref<1x50x128xf32, #tpu.memory_space<hbm>> -> memref<50x128xf32, #tpu.memory_space<hbm>>
      %dma_wait3A_716 = arith.constant 0 : i32
      %dma_wait3A_717 = arith.constant 0 : i32
      %dma_wait3A_718 = tpu.memref_slice %arg4[%add3A_706, %dma_wait3A_716, %dma_wait3A_717] : memref<4096x50x128xf32, #tpu.memory_space<hbm>> -> memref<1x50x128xf32, #tpu.memory_space<hbm>>
      %dma_wait3A_719 = tpu.memref_squeeze %dma_wait3A_718 : memref<1x50x128xf32, #tpu.memory_space<hbm>> -> memref<50x128xf32, #tpu.memory_space<hbm>>
      %dma_wait3A_720 = arith.constant 0 : i32
      %dma_wait3A_721 = arith.constant 0 : i32
      %dma_wait3A_722 = tpu.memref_slice %arg6[%dma_wait3A_707, %dma_wait3A_720, %dma_wait3A_721] : memref<4x56x128xf32, #tpu.memory_space<vmem>> -> memref<1x50x128xf32, #tpu.memory_space<vmem>>
      %dma_wait3A_723 = tpu.memref_squeeze %dma_wait3A_722 : memref<1x50x128xf32, #tpu.memory_space<vmem>> -> memref<50x128xf32, #tpu.memory_space<vmem>>
      tpu.wait_dma2 semaphore(%arg13 : memref<!tpu.dma_semaphore, #tpu.memory_space<semaphore_mem>>) src(%dma_wait3A_723 : memref<50x128xf32, #tpu.memory_space<vmem>>) dst(%dma_wait3A_719 : memref<50x128xf32, #tpu.memory_space<hbm>>)
      %add3A_724 = arith.constant 3 : i32
      %add3A_725 = arith.addi %add3A_703, %add3A_724 : i32
      %dma_start3A_726 = arith.constant 2 : i32
      %dma_start3A_727 = arith.constant 0 : i32
      %dma_start3A_728 = arith.constant 0 : i32
      %dma_start3A_729 = tpu.memref_slice %arg6[%dma_start3A_726, %dma_start3A_727, %dma_start3A_728] : memref<4x56x128xf32, #tpu.memory_space<vmem>> -> memref<1x56x128xf32, #tpu.memory_space<vmem>>
      %dma_start3A_730 = tpu.memref_squeeze %dma_start3A_729 : memref<1x56x128xf32, #tpu.memory_space<vmem>> -> memref<56x128xf32, #tpu.memory_space<vmem>>
      %dma_start3A_731 = arith.constant 0 : i32
      %dma_start3A_732 = tpu.memref_slice %arg5[%add3A_725, %dma_start3A_731] : memref<128x56xi32, #tpu.memory_space<vmem>> -> memref<1x56xi32, #tpu.memory_space<vmem>>
      %dma_start3A_733 = tpu.memref_squeeze %dma_start3A_732 : memref<1x56xi32, #tpu.memory_space<vmem>> -> memref<56xi32, #tpu.memory_space<vmem>>
      %dma_start3A_734 = arith.constant 0 : i32
      %dma_start3A_735 = arith.constant 0 : i32
      %dma_start3A_736 = tpu.memref_slice %arg3[%dma_start3A_734, %dma_start3A_735] : memref<100000x128xf32, #tpu.memory_space<hbm>> -> memref<100000x128xf32, #tpu.memory_space<hbm>>
      tpu.enqueue_indirect_dma source(%dma_start3A_736 : memref<100000x128xf32, #tpu.memory_space<hbm>>) target(%dma_start3A_730 : memref<56x128xf32, #tpu.memory_space<vmem>>) offsets(%dma_start3A_733 : memref<56xi32, #tpu.memory_space<vmem>>) semaphore(%arg9 : memref<!tpu.dma_semaphore, #tpu.memory_space<semaphore_mem>>)
      %dma_wait3A_737 = arith.constant 3 : i32
      %dma_wait3A_738 = arith.constant 0 : i32
      %dma_wait3A_739 = arith.constant 0 : i32
      %dma_wait3A_740 = tpu.memref_slice %arg6[%dma_wait3A_737, %dma_wait3A_738, %dma_wait3A_739] : memref<4x56x128xf32, #tpu.memory_space<vmem>> -> memref<1x56x128xf32, #tpu.memory_space<vmem>>
      %dma_wait3A_741 = tpu.memref_squeeze %dma_wait3A_740 : memref<1x56x128xf32, #tpu.memory_space<vmem>> -> memref<56x128xf32, #tpu.memory_space<vmem>>
      %dma_wait3A_742 = arith.constant 0 : i32
      %dma_wait3A_743 = tpu.memref_slice %arg5[%add3A_703, %dma_wait3A_742] : memref<128x56xi32, #tpu.memory_space<vmem>> -> memref<1x56xi32, #tpu.memory_space<vmem>>
      %dma_wait3A_744 = tpu.memref_squeeze %dma_wait3A_743 : memref<1x56xi32, #tpu.memory_space<vmem>> -> memref<56xi32, #tpu.memory_space<vmem>>
      %dma_wait3A_745 = arith.constant 0 : i32
      %dma_wait3A_746 = arith.constant 0 : i32
      %dma_wait3A_747 = tpu.memref_slice %arg3[%dma_wait3A_745, %dma_wait3A_746] : memref<100000x128xf32, #tpu.memory_space<hbm>> -> memref<100000x128xf32, #tpu.memory_space<hbm>>
      tpu.wait_indirect_dma semaphore(%arg10 : memref<!tpu.dma_semaphore, #tpu.memory_space<semaphore_mem>>) src(%dma_wait3A_747 : memref<100000x128xf32, #tpu.memory_space<hbm>>) dst(%dma_wait3A_741 : memref<56x128xf32, #tpu.memory_space<vmem>>)
      %add3A_748 = arith.addi %mul3A_2, %add3A_703 : i32
      %dma_start3A_749 = arith.constant 3 : i32
      %dma_start3A_750 = arith.constant 0 : i32
      %dma_start3A_751 = arith.constant 0 : i32
      %dma_start3A_752 = tpu.memref_slice %arg6[%dma_start3A_749, %dma_start3A_750, %dma_start3A_751] : memref<4x56x128xf32, #tpu.memory_space<vmem>> -> memref<1x50x128xf32, #tpu.memory_space<vmem>>
      %dma_start3A_753 = tpu.memref_squeeze %dma_start3A_752 : memref<1x50x128xf32, #tpu.memory_space<vmem>> -> memref<50x128xf32, #tpu.memory_space<vmem>>
      %dma_start3A_754 = arith.constant 0 : i32
      %dma_start3A_755 = arith.constant 0 : i32
      %dma_start3A_756 = tpu.memref_slice %arg4[%add3A_748, %dma_start3A_754, %dma_start3A_755] : memref<4096x50x128xf32, #tpu.memory_space<hbm>> -> memref<1x50x128xf32, #tpu.memory_space<hbm>>
      %dma_start3A_757 = tpu.memref_squeeze %dma_start3A_756 : memref<1x50x128xf32, #tpu.memory_space<hbm>> -> memref<50x128xf32, #tpu.memory_space<hbm>>
      %dma_start3A_758 = arith.constant 0 : i32
      %dma_start3A_759 = arith.constant 0 : i32
      %dma_start3A_760 = tpu.memref_slice %arg4[%add3A_748, %dma_start3A_758, %dma_start3A_759] : memref<4096x50x128xf32, #tpu.memory_space<hbm>> -> memref<1x50x128xf32, #tpu.memory_space<hbm>>
      %dma_start3A_761 = tpu.memref_squeeze %dma_start3A_760 : memref<1x50x128xf32, #tpu.memory_space<hbm>> -> memref<50x128xf32, #tpu.memory_space<hbm>>
      %dma_start3A_762 = arith.constant 0 : i32
      %dma_start3A_763 = arith.constant 0 : i32
      %dma_start3A_764 = tpu.memref_slice %arg6[%dma_start3A_749, %dma_start3A_762, %dma_start3A_763] : memref<4x56x128xf32, #tpu.memory_space<vmem>> -> memref<1x50x128xf32, #tpu.memory_space<vmem>>
      %dma_start3A_765 = tpu.memref_squeeze %dma_start3A_764 : memref<1x50x128xf32, #tpu.memory_space<vmem>> -> memref<50x128xf32, #tpu.memory_space<vmem>>
      tpu.enqueue_dma source(%dma_start3A_765 : memref<50x128xf32, #tpu.memory_space<vmem>>) target(%dma_start3A_761 : memref<50x128xf32, #tpu.memory_space<hbm>>) target_semaphore(%arg14 : memref<!tpu.dma_semaphore, #tpu.memory_space<semaphore_mem>>)
    }
    %scan3A_270 = arith.constant 30 : i32
    %add3A_271 = arith.constant 123 : i32
    %add3A_272 = arith.addi %mul3A_2, %add3A_271 : i32
    %dma_wait3A_273 = arith.constant 3 : i32
    %dma_wait3A_274 = arith.constant 0 : i32
    %dma_wait3A_275 = arith.constant 0 : i32
    %dma_wait3A_276 = tpu.memref_slice %arg6[%dma_wait3A_273, %dma_wait3A_274, %dma_wait3A_275] : memref<4x56x128xf32, #tpu.memory_space<vmem>> -> memref<1x50x128xf32, #tpu.memory_space<vmem>>
    %dma_wait3A_277 = tpu.memref_squeeze %dma_wait3A_276 : memref<1x50x128xf32, #tpu.memory_space<vmem>> -> memref<50x128xf32, #tpu.memory_space<vmem>>
    %dma_wait3A_278 = arith.constant 0 : i32
    %dma_wait3A_279 = arith.constant 0 : i32
    %dma_wait3A_280 = tpu.memref_slice %arg4[%add3A_272, %dma_wait3A_278, %dma_wait3A_279] : memref<4096x50x128xf32, #tpu.memory_space<hbm>> -> memref<1x50x128xf32, #tpu.memory_space<hbm>>
    %dma_wait3A_281 = tpu.memref_squeeze %dma_wait3A_280 : memref<1x50x128xf32, #tpu.memory_space<hbm>> -> memref<50x128xf32, #tpu.memory_space<hbm>>
    %dma_wait3A_282 = arith.constant 0 : i32
    %dma_wait3A_283 = arith.constant 0 : i32
    %dma_wait3A_284 = tpu.memref_slice %arg4[%add3A_272, %dma_wait3A_282, %dma_wait3A_283] : memref<4096x50x128xf32, #tpu.memory_space<hbm>> -> memref<1x50x128xf32, #tpu.memory_space<hbm>>
    %dma_wait3A_285 = tpu.memref_squeeze %dma_wait3A_284 : memref<1x50x128xf32, #tpu.memory_space<hbm>> -> memref<50x128xf32, #tpu.memory_space<hbm>>
    %dma_wait3A_286 = arith.constant 0 : i32
    %dma_wait3A_287 = arith.constant 0 : i32
    %dma_wait3A_288 = tpu.memref_slice %arg6[%dma_wait3A_273, %dma_wait3A_286, %dma_wait3A_287] : memref<4x56x128xf32, #tpu.memory_space<vmem>> -> memref<1x50x128xf32, #tpu.memory_space<vmem>>
    %dma_wait3A_289 = tpu.memref_squeeze %dma_wait3A_288 : memref<1x50x128xf32, #tpu.memory_space<vmem>> -> memref<50x128xf32, #tpu.memory_space<vmem>>
    tpu.wait_dma2 semaphore(%arg14 : memref<!tpu.dma_semaphore, #tpu.memory_space<semaphore_mem>>) src(%dma_wait3A_289 : memref<50x128xf32, #tpu.memory_space<vmem>>) dst(%dma_wait3A_285 : memref<50x128xf32, #tpu.memory_space<hbm>>)
    %dma_start3A_290 = arith.constant 127 : i32
    %dma_start3A_291 = arith.constant 3 : i32
    %dma_start3A_292 = arith.constant 0 : i32
    %dma_start3A_293 = arith.constant 0 : i32
    %dma_start3A_294 = tpu.memref_slice %arg6[%dma_start3A_291, %dma_start3A_292, %dma_start3A_293] : memref<4x56x128xf32, #tpu.memory_space<vmem>> -> memref<1x56x128xf32, #tpu.memory_space<vmem>>
    %dma_start3A_295 = tpu.memref_squeeze %dma_start3A_294 : memref<1x56x128xf32, #tpu.memory_space<vmem>> -> memref<56x128xf32, #tpu.memory_space<vmem>>
    %dma_start3A_296 = arith.constant 0 : i32
    %dma_start3A_297 = tpu.memref_slice %arg5[%dma_start3A_290, %dma_start3A_296] : memref<128x56xi32, #tpu.memory_space<vmem>> -> memref<1x56xi32, #tpu.memory_space<vmem>>
    %dma_start3A_298 = tpu.memref_squeeze %dma_start3A_297 : memref<1x56xi32, #tpu.memory_space<vmem>> -> memref<56xi32, #tpu.memory_space<vmem>>
    %dma_start3A_299 = arith.constant 0 : i32
    %dma_start3A_300 = arith.constant 0 : i32
    %dma_start3A_301 = tpu.memref_slice %arg3[%dma_start3A_299, %dma_start3A_300] : memref<100000x128xf32, #tpu.memory_space<hbm>> -> memref<100000x128xf32, #tpu.memory_space<hbm>>
    tpu.enqueue_indirect_dma source(%dma_start3A_301 : memref<100000x128xf32, #tpu.memory_space<hbm>>) target(%dma_start3A_295 : memref<56x128xf32, #tpu.memory_space<vmem>>) offsets(%dma_start3A_298 : memref<56xi32, #tpu.memory_space<vmem>>) semaphore(%arg10 : memref<!tpu.dma_semaphore, #tpu.memory_space<semaphore_mem>>)
    %dma_wait3A_302 = arith.constant 124 : i32
    %dma_wait3A_303 = arith.constant 0 : i32
    %dma_wait3A_304 = arith.constant 0 : i32
    %dma_wait3A_305 = arith.constant 0 : i32
    %dma_wait3A_306 = tpu.memref_slice %arg6[%dma_wait3A_303, %dma_wait3A_304, %dma_wait3A_305] : memref<4x56x128xf32, #tpu.memory_space<vmem>> -> memref<1x56x128xf32, #tpu.memory_space<vmem>>
    %dma_wait3A_307 = tpu.memref_squeeze %dma_wait3A_306 : memref<1x56x128xf32, #tpu.memory_space<vmem>> -> memref<56x128xf32, #tpu.memory_space<vmem>>
    %dma_wait3A_308 = arith.constant 0 : i32
    %dma_wait3A_309 = tpu.memref_slice %arg5[%dma_wait3A_302, %dma_wait3A_308] : memref<128x56xi32, #tpu.memory_space<vmem>> -> memref<1x56xi32, #tpu.memory_space<vmem>>
    %dma_wait3A_310 = tpu.memref_squeeze %dma_wait3A_309 : memref<1x56xi32, #tpu.memory_space<vmem>> -> memref<56xi32, #tpu.memory_space<vmem>>
    %dma_wait3A_311 = arith.constant 0 : i32
    %dma_wait3A_312 = arith.constant 0 : i32
    %dma_wait3A_313 = tpu.memref_slice %arg3[%dma_wait3A_311, %dma_wait3A_312] : memref<100000x128xf32, #tpu.memory_space<hbm>> -> memref<100000x128xf32, #tpu.memory_space<hbm>>
    tpu.wait_indirect_dma semaphore(%arg7 : memref<!tpu.dma_semaphore, #tpu.memory_space<semaphore_mem>>) src(%dma_wait3A_313 : memref<100000x128xf32, #tpu.memory_space<hbm>>) dst(%dma_wait3A_307 : memref<56x128xf32, #tpu.memory_space<vmem>>)
    %add3A_314 = arith.constant 124 : i32
    %add3A_315 = arith.addi %mul3A_2, %add3A_314 : i32
    %dma_start3A_316 = arith.constant 0 : i32
    %dma_start3A_317 = arith.constant 0 : i32
    %dma_start3A_318 = arith.constant 0 : i32
    %dma_start3A_319 = tpu.memref_slice %arg6[%dma_start3A_316, %dma_start3A_317, %dma_start3A_318] : memref<4x56x128xf32, #tpu.memory_space<vmem>> -> memref<1x50x128xf32, #tpu.memory_space<vmem>>
    %dma_start3A_320 = tpu.memref_squeeze %dma_start3A_319 : memref<1x50x128xf32, #tpu.memory_space<vmem>> -> memref<50x128xf32, #tpu.memory_space<vmem>>
    %dma_start3A_321 = arith.constant 0 : i32
    %dma_start3A_322 = arith.constant 0 : i32
    %dma_start3A_323 = tpu.memref_slice %arg4[%add3A_315, %dma_start3A_321, %dma_start3A_322] : memref<4096x50x128xf32, #tpu.memory_space<hbm>> -> memref<1x50x128xf32, #tpu.memory_space<hbm>>
    %dma_start3A_324 = tpu.memref_squeeze %dma_start3A_323 : memref<1x50x128xf32, #tpu.memory_space<hbm>> -> memref<50x128xf32, #tpu.memory_space<hbm>>
    %dma_start3A_325 = arith.constant 0 : i32
    %dma_start3A_326 = arith.constant 0 : i32
    %dma_start3A_327 = tpu.memref_slice %arg4[%add3A_315, %dma_start3A_325, %dma_start3A_326] : memref<4096x50x128xf32, #tpu.memory_space<hbm>> -> memref<1x50x128xf32, #tpu.memory_space<hbm>>
    %dma_start3A_328 = tpu.memref_squeeze %dma_start3A_327 : memref<1x50x128xf32, #tpu.memory_space<hbm>> -> memref<50x128xf32, #tpu.memory_space<hbm>>
    %dma_start3A_329 = arith.constant 0 : i32
    %dma_start3A_330 = arith.constant 0 : i32
    %dma_start3A_331 = tpu.memref_slice %arg6[%dma_start3A_316, %dma_start3A_329, %dma_start3A_330] : memref<4x56x128xf32, #tpu.memory_space<vmem>> -> memref<1x50x128xf32, #tpu.memory_space<vmem>>
    %dma_start3A_332 = tpu.memref_squeeze %dma_start3A_331 : memref<1x50x128xf32, #tpu.memory_space<vmem>> -> memref<50x128xf32, #tpu.memory_space<vmem>>
    tpu.enqueue_dma source(%dma_start3A_332 : memref<50x128xf32, #tpu.memory_space<vmem>>) target(%dma_start3A_328 : memref<50x128xf32, #tpu.memory_space<hbm>>) target_semaphore(%arg11 : memref<!tpu.dma_semaphore, #tpu.memory_space<semaphore_mem>>)
    %dma_wait3A_333 = arith.constant 125 : i32
    %dma_wait3A_334 = arith.constant 1 : i32
    %dma_wait3A_335 = arith.constant 0 : i32
    %dma_wait3A_336 = arith.constant 0 : i32
    %dma_wait3A_337 = tpu.memref_slice %arg6[%dma_wait3A_334, %dma_wait3A_335, %dma_wait3A_336] : memref<4x56x128xf32, #tpu.memory_space<vmem>> -> memref<1x56x128xf32, #tpu.memory_space<vmem>>
    %dma_wait3A_338 = tpu.memref_squeeze %dma_wait3A_337 : memref<1x56x128xf32, #tpu.memory_space<vmem>> -> memref<56x128xf32, #tpu.memory_space<vmem>>
    %dma_wait3A_339 = arith.constant 0 : i32
    %dma_wait3A_340 = tpu.memref_slice %arg5[%dma_wait3A_333, %dma_wait3A_339] : memref<128x56xi32, #tpu.memory_space<vmem>> -> memref<1x56xi32, #tpu.memory_space<vmem>>
    %dma_wait3A_341 = tpu.memref_squeeze %dma_wait3A_340 : memref<1x56xi32, #tpu.memory_space<vmem>> -> memref<56xi32, #tpu.memory_space<vmem>>
    %dma_wait3A_342 = arith.constant 0 : i32
    %dma_wait3A_343 = arith.constant 0 : i32
    %dma_wait3A_344 = tpu.memref_slice %arg3[%dma_wait3A_342, %dma_wait3A_343] : memref<100000x128xf32, #tpu.memory_space<hbm>> -> memref<100000x128xf32, #tpu.memory_space<hbm>>
    tpu.wait_indirect_dma semaphore(%arg8 : memref<!tpu.dma_semaphore, #tpu.memory_space<semaphore_mem>>) src(%dma_wait3A_344 : memref<100000x128xf32, #tpu.memory_space<hbm>>) dst(%dma_wait3A_338 : memref<56x128xf32, #tpu.memory_space<vmem>>)
    %add3A_345 = arith.constant 125 : i32
    %add3A_346 = arith.addi %mul3A_2, %add3A_345 : i32
    %dma_start3A_347 = arith.constant 1 : i32
    %dma_start3A_348 = arith.constant 0 : i32
    %dma_start3A_349 = arith.constant 0 : i32
    %dma_start3A_350 = tpu.memref_slice %arg6[%dma_start3A_347, %dma_start3A_348, %dma_start3A_349] : memref<4x56x128xf32, #tpu.memory_space<vmem>> -> memref<1x50x128xf32, #tpu.memory_space<vmem>>
    %dma_start3A_351 = tpu.memref_squeeze %dma_start3A_350 : memref<1x50x128xf32, #tpu.memory_space<vmem>> -> memref<50x128xf32, #tpu.memory_space<vmem>>
    %dma_start3A_352 = arith.constant 0 : i32
    %dma_start3A_353 = arith.constant 0 : i32
    %dma_start3A_354 = tpu.memref_slice %arg4[%add3A_346, %dma_start3A_352, %dma_start3A_353] : memref<4096x50x128xf32, #tpu.memory_space<hbm>> -> memref<1x50x128xf32, #tpu.memory_space<hbm>>
    %dma_start3A_355 = tpu.memref_squeeze %dma_start3A_354 : memref<1x50x128xf32, #tpu.memory_space<hbm>> -> memref<50x128xf32, #tpu.memory_space<hbm>>
    %dma_start3A_356 = arith.constant 0 : i32
    %dma_start3A_357 = arith.constant 0 : i32
    %dma_start3A_358 = tpu.memref_slice %arg4[%add3A_346, %dma_start3A_356, %dma_start3A_357] : memref<4096x50x128xf32, #tpu.memory_space<hbm>> -> memref<1x50x128xf32, #tpu.memory_space<hbm>>
    %dma_start3A_359 = tpu.memref_squeeze %dma_start3A_358 : memref<1x50x128xf32, #tpu.memory_space<hbm>> -> memref<50x128xf32, #tpu.memory_space<hbm>>
    %dma_start3A_360 = arith.constant 0 : i32
    %dma_start3A_361 = arith.constant 0 : i32
    %dma_start3A_362 = tpu.memref_slice %arg6[%dma_start3A_347, %dma_start3A_360, %dma_start3A_361] : memref<4x56x128xf32, #tpu.memory_space<vmem>> -> memref<1x50x128xf32, #tpu.memory_space<vmem>>
    %dma_start3A_363 = tpu.memref_squeeze %dma_start3A_362 : memref<1x50x128xf32, #tpu.memory_space<vmem>> -> memref<50x128xf32, #tpu.memory_space<vmem>>
    tpu.enqueue_dma source(%dma_start3A_363 : memref<50x128xf32, #tpu.memory_space<vmem>>) target(%dma_start3A_359 : memref<50x128xf32, #tpu.memory_space<hbm>>) target_semaphore(%arg12 : memref<!tpu.dma_semaphore, #tpu.memory_space<semaphore_mem>>)
    %dma_wait3A_364 = arith.constant 126 : i32
    %dma_wait3A_365 = arith.constant 2 : i32
    %dma_wait3A_366 = arith.constant 0 : i32
    %dma_wait3A_367 = arith.constant 0 : i32
    %dma_wait3A_368 = tpu.memref_slice %arg6[%dma_wait3A_365, %dma_wait3A_366, %dma_wait3A_367] : memref<4x56x128xf32, #tpu.memory_space<vmem>> -> memref<1x56x128xf32, #tpu.memory_space<vmem>>
    %dma_wait3A_369 = tpu.memref_squeeze %dma_wait3A_368 : memref<1x56x128xf32, #tpu.memory_space<vmem>> -> memref<56x128xf32, #tpu.memory_space<vmem>>
    %dma_wait3A_370 = arith.constant 0 : i32
    %dma_wait3A_371 = tpu.memref_slice %arg5[%dma_wait3A_364, %dma_wait3A_370] : memref<128x56xi32, #tpu.memory_space<vmem>> -> memref<1x56xi32, #tpu.memory_space<vmem>>
    %dma_wait3A_372 = tpu.memref_squeeze %dma_wait3A_371 : memref<1x56xi32, #tpu.memory_space<vmem>> -> memref<56xi32, #tpu.memory_space<vmem>>
    %dma_wait3A_373 = arith.constant 0 : i32
    %dma_wait3A_374 = arith.constant 0 : i32
    %dma_wait3A_375 = tpu.memref_slice %arg3[%dma_wait3A_373, %dma_wait3A_374] : memref<100000x128xf32, #tpu.memory_space<hbm>> -> memref<100000x128xf32, #tpu.memory_space<hbm>>
    tpu.wait_indirect_dma semaphore(%arg9 : memref<!tpu.dma_semaphore, #tpu.memory_space<semaphore_mem>>) src(%dma_wait3A_375 : memref<100000x128xf32, #tpu.memory_space<hbm>>) dst(%dma_wait3A_369 : memref<56x128xf32, #tpu.memory_space<vmem>>)
    %add3A_376 = arith.constant 126 : i32
    %add3A_377 = arith.addi %mul3A_2, %add3A_376 : i32
    %dma_start3A_378 = arith.constant 2 : i32
    %dma_start3A_379 = arith.constant 0 : i32
    %dma_start3A_380 = arith.constant 0 : i32
    %dma_start3A_381 = tpu.memref_slice %arg6[%dma_start3A_378, %dma_start3A_379, %dma_start3A_380] : memref<4x56x128xf32, #tpu.memory_space<vmem>> -> memref<1x50x128xf32, #tpu.memory_space<vmem>>
    %dma_start3A_382 = tpu.memref_squeeze %dma_start3A_381 : memref<1x50x128xf32, #tpu.memory_space<vmem>> -> memref<50x128xf32, #tpu.memory_space<vmem>>
    %dma_start3A_383 = arith.constant 0 : i32
    %dma_start3A_384 = arith.constant 0 : i32
    %dma_start3A_385 = tpu.memref_slice %arg4[%add3A_377, %dma_start3A_383, %dma_start3A_384] : memref<4096x50x128xf32, #tpu.memory_space<hbm>> -> memref<1x50x128xf32, #tpu.memory_space<hbm>>
    %dma_start3A_386 = tpu.memref_squeeze %dma_start3A_385 : memref<1x50x128xf32, #tpu.memory_space<hbm>> -> memref<50x128xf32, #tpu.memory_space<hbm>>
    %dma_start3A_387 = arith.constant 0 : i32
    %dma_start3A_388 = arith.constant 0 : i32
    %dma_start3A_389 = tpu.memref_slice %arg4[%add3A_377, %dma_start3A_387, %dma_start3A_388] : memref<4096x50x128xf32, #tpu.memory_space<hbm>> -> memref<1x50x128xf32, #tpu.memory_space<hbm>>
    %dma_start3A_390 = tpu.memref_squeeze %dma_start3A_389 : memref<1x50x128xf32, #tpu.memory_space<hbm>> -> memref<50x128xf32, #tpu.memory_space<hbm>>
    %dma_start3A_391 = arith.constant 0 : i32
    %dma_start3A_392 = arith.constant 0 : i32
    %dma_start3A_393 = tpu.memref_slice %arg6[%dma_start3A_378, %dma_start3A_391, %dma_start3A_392] : memref<4x56x128xf32, #tpu.memory_space<vmem>> -> memref<1x50x128xf32, #tpu.memory_space<vmem>>
    %dma_start3A_394 = tpu.memref_squeeze %dma_start3A_393 : memref<1x50x128xf32, #tpu.memory_space<vmem>> -> memref<50x128xf32, #tpu.memory_space<vmem>>
    tpu.enqueue_dma source(%dma_start3A_394 : memref<50x128xf32, #tpu.memory_space<vmem>>) target(%dma_start3A_390 : memref<50x128xf32, #tpu.memory_space<hbm>>) target_semaphore(%arg13 : memref<!tpu.dma_semaphore, #tpu.memory_space<semaphore_mem>>)
    %dma_wait3A_395 = arith.constant 127 : i32
    %dma_wait3A_396 = arith.constant 3 : i32
    %dma_wait3A_397 = arith.constant 0 : i32
    %dma_wait3A_398 = arith.constant 0 : i32
    %dma_wait3A_399 = tpu.memref_slice %arg6[%dma_wait3A_396, %dma_wait3A_397, %dma_wait3A_398] : memref<4x56x128xf32, #tpu.memory_space<vmem>> -> memref<1x56x128xf32, #tpu.memory_space<vmem>>
    %dma_wait3A_400 = tpu.memref_squeeze %dma_wait3A_399 : memref<1x56x128xf32, #tpu.memory_space<vmem>> -> memref<56x128xf32, #tpu.memory_space<vmem>>
    %dma_wait3A_401 = arith.constant 0 : i32
    %dma_wait3A_402 = tpu.memref_slice %arg5[%dma_wait3A_395, %dma_wait3A_401] : memref<128x56xi32, #tpu.memory_space<vmem>> -> memref<1x56xi32, #tpu.memory_space<vmem>>
    %dma_wait3A_403 = tpu.memref_squeeze %dma_wait3A_402 : memref<1x56xi32, #tpu.memory_space<vmem>> -> memref<56xi32, #tpu.memory_space<vmem>>
    %dma_wait3A_404 = arith.constant 0 : i32
    %dma_wait3A_405 = arith.constant 0 : i32
    %dma_wait3A_406 = tpu.memref_slice %arg3[%dma_wait3A_404, %dma_wait3A_405] : memref<100000x128xf32, #tpu.memory_space<hbm>> -> memref<100000x128xf32, #tpu.memory_space<hbm>>
    tpu.wait_indirect_dma semaphore(%arg10 : memref<!tpu.dma_semaphore, #tpu.memory_space<semaphore_mem>>) src(%dma_wait3A_406 : memref<100000x128xf32, #tpu.memory_space<hbm>>) dst(%dma_wait3A_400 : memref<56x128xf32, #tpu.memory_space<vmem>>)
    %add3A_407 = arith.constant 127 : i32
    %add3A_408 = arith.addi %mul3A_2, %add3A_407 : i32
    %dma_start3A_409 = arith.constant 3 : i32
    %dma_start3A_410 = arith.constant 0 : i32
    %dma_start3A_411 = arith.constant 0 : i32
    %dma_start3A_412 = tpu.memref_slice %arg6[%dma_start3A_409, %dma_start3A_410, %dma_start3A_411] : memref<4x56x128xf32, #tpu.memory_space<vmem>> -> memref<1x50x128xf32, #tpu.memory_space<vmem>>
    %dma_start3A_413 = tpu.memref_squeeze %dma_start3A_412 : memref<1x50x128xf32, #tpu.memory_space<vmem>> -> memref<50x128xf32, #tpu.memory_space<vmem>>
    %dma_start3A_414 = arith.constant 0 : i32
    %dma_start3A_415 = arith.constant 0 : i32
    %dma_start3A_416 = tpu.memref_slice %arg4[%add3A_408, %dma_start3A_414, %dma_start3A_415] : memref<4096x50x128xf32, #tpu.memory_space<hbm>> -> memref<1x50x128xf32, #tpu.memory_space<hbm>>
    %dma_start3A_417 = tpu.memref_squeeze %dma_start3A_416 : memref<1x50x128xf32, #tpu.memory_space<hbm>> -> memref<50x128xf32, #tpu.memory_space<hbm>>
    %dma_start3A_418 = arith.constant 0 : i32
    %dma_start3A_419 = arith.constant 0 : i32
    %dma_start3A_420 = tpu.memref_slice %arg4[%add3A_408, %dma_start3A_418, %dma_start3A_419] : memref<4096x50x128xf32, #tpu.memory_space<hbm>> -> memref<1x50x128xf32, #tpu.memory_space<hbm>>
    %dma_start3A_421 = tpu.memref_squeeze %dma_start3A_420 : memref<1x50x128xf32, #tpu.memory_space<hbm>> -> memref<50x128xf32, #tpu.memory_space<hbm>>
    %dma_start3A_422 = arith.constant 0 : i32
    %dma_start3A_423 = arith.constant 0 : i32
    %dma_start3A_424 = tpu.memref_slice %arg6[%dma_start3A_409, %dma_start3A_422, %dma_start3A_423] : memref<4x56x128xf32, #tpu.memory_space<vmem>> -> memref<1x50x128xf32, #tpu.memory_space<vmem>>
    %dma_start3A_425 = tpu.memref_squeeze %dma_start3A_424 : memref<1x50x128xf32, #tpu.memory_space<vmem>> -> memref<50x128xf32, #tpu.memory_space<vmem>>
    tpu.enqueue_dma source(%dma_start3A_425 : memref<50x128xf32, #tpu.memory_space<vmem>>) target(%dma_start3A_421 : memref<50x128xf32, #tpu.memory_space<hbm>>) target_semaphore(%arg14 : memref<!tpu.dma_semaphore, #tpu.memory_space<semaphore_mem>>)
    %add3A_426 = arith.constant 124 : i32
    %add3A_427 = arith.addi %mul3A_2, %add3A_426 : i32
    %dma_wait3A_428 = arith.constant 0 : i32
    %dma_wait3A_429 = arith.constant 0 : i32
    %dma_wait3A_430 = arith.constant 0 : i32
    %dma_wait3A_431 = tpu.memref_slice %arg6[%dma_wait3A_428, %dma_wait3A_429, %dma_wait3A_430] : memref<4x56x128xf32, #tpu.memory_space<vmem>> -> memref<1x50x128xf32, #tpu.memory_space<vmem>>
    %dma_wait3A_432 = tpu.memref_squeeze %dma_wait3A_431 : memref<1x50x128xf32, #tpu.memory_space<vmem>> -> memref<50x128xf32, #tpu.memory_space<vmem>>
    %dma_wait3A_433 = arith.constant 0 : i32
    %dma_wait3A_434 = arith.constant 0 : i32
    %dma_wait3A_435 = tpu.memref_slice %arg4[%add3A_427, %dma_wait3A_433, %dma_wait3A_434] : memref<4096x50x128xf32, #tpu.memory_space<hbm>> -> memref<1x50x128xf32, #tpu.memory_space<hbm>>
    %dma_wait3A_436 = tpu.memref_squeeze %dma_wait3A_435 : memref<1x50x128xf32, #tpu.memory_space<hbm>> -> memref<50x128xf32, #tpu.memory_space<hbm>>
    %dma_wait3A_437 = arith.constant 0 : i32
    %dma_wait3A_438 = arith.constant 0 : i32
    %dma_wait3A_439 = tpu.memref_slice %arg4[%add3A_427, %dma_wait3A_437, %dma_wait3A_438] : memref<4096x50x128xf32, #tpu.memory_space<hbm>> -> memref<1x50x128xf32, #tpu.memory_space<hbm>>
    %dma_wait3A_440 = tpu.memref_squeeze %dma_wait3A_439 : memref<1x50x128xf32, #tpu.memory_space<hbm>> -> memref<50x128xf32, #tpu.memory_space<hbm>>
    %dma_wait3A_441 = arith.constant 0 : i32
    %dma_wait3A_442 = arith.constant 0 : i32
    %dma_wait3A_443 = tpu.memref_slice %arg6[%dma_wait3A_428, %dma_wait3A_441, %dma_wait3A_442] : memref<4x56x128xf32, #tpu.memory_space<vmem>> -> memref<1x50x128xf32, #tpu.memory_space<vmem>>
    %dma_wait3A_444 = tpu.memref_squeeze %dma_wait3A_443 : memref<1x50x128xf32, #tpu.memory_space<vmem>> -> memref<50x128xf32, #tpu.memory_space<vmem>>
    tpu.wait_dma2 semaphore(%arg11 : memref<!tpu.dma_semaphore, #tpu.memory_space<semaphore_mem>>) src(%dma_wait3A_444 : memref<50x128xf32, #tpu.memory_space<vmem>>) dst(%dma_wait3A_440 : memref<50x128xf32, #tpu.memory_space<hbm>>)
    %add3A_445 = arith.constant 125 : i32
    %add3A_446 = arith.addi %mul3A_2, %add3A_445 : i32
    %dma_wait3A_447 = arith.constant 1 : i32
    %dma_wait3A_448 = arith.constant 0 : i32
    %dma_wait3A_449 = arith.constant 0 : i32
    %dma_wait3A_450 = tpu.memref_slice %arg6[%dma_wait3A_447, %dma_wait3A_448, %dma_wait3A_449] : memref<4x56x128xf32, #tpu.memory_space<vmem>> -> memref<1x50x128xf32, #tpu.memory_space<vmem>>
    %dma_wait3A_451 = tpu.memref_squeeze %dma_wait3A_450 : memref<1x50x128xf32, #tpu.memory_space<vmem>> -> memref<50x128xf32, #tpu.memory_space<vmem>>
    %dma_wait3A_452 = arith.constant 0 : i32
    %dma_wait3A_453 = arith.constant 0 : i32
    %dma_wait3A_454 = tpu.memref_slice %arg4[%add3A_446, %dma_wait3A_452, %dma_wait3A_453] : memref<4096x50x128xf32, #tpu.memory_space<hbm>> -> memref<1x50x128xf32, #tpu.memory_space<hbm>>
    %dma_wait3A_455 = tpu.memref_squeeze %dma_wait3A_454 : memref<1x50x128xf32, #tpu.memory_space<hbm>> -> memref<50x128xf32, #tpu.memory_space<hbm>>
    %dma_wait3A_456 = arith.constant 0 : i32
    %dma_wait3A_457 = arith.constant 0 : i32
    %dma_wait3A_458 = tpu.memref_slice %arg4[%add3A_446, %dma_wait3A_456, %dma_wait3A_457] : memref<4096x50x128xf32, #tpu.memory_space<hbm>> -> memref<1x50x128xf32, #tpu.memory_space<hbm>>
    %dma_wait3A_459 = tpu.memref_squeeze %dma_wait3A_458 : memref<1x50x128xf32, #tpu.memory_space<hbm>> -> memref<50x128xf32, #tpu.memory_space<hbm>>
    %dma_wait3A_460 = arith.constant 0 : i32
    %dma_wait3A_461 = arith.constant 0 : i32
    %dma_wait3A_462 = tpu.memref_slice %arg6[%dma_wait3A_447, %dma_wait3A_460, %dma_wait3A_461] : memref<4x56x128xf32, #tpu.memory_space<vmem>> -> memref<1x50x128xf32, #tpu.memory_space<vmem>>
    %dma_wait3A_463 = tpu.memref_squeeze %dma_wait3A_462 : memref<1x50x128xf32, #tpu.memory_space<vmem>> -> memref<50x128xf32, #tpu.memory_space<vmem>>
    tpu.wait_dma2 semaphore(%arg12 : memref<!tpu.dma_semaphore, #tpu.memory_space<semaphore_mem>>) src(%dma_wait3A_463 : memref<50x128xf32, #tpu.memory_space<vmem>>) dst(%dma_wait3A_459 : memref<50x128xf32, #tpu.memory_space<hbm>>)
    %add3A_464 = arith.constant 126 : i32
    %add3A_465 = arith.addi %mul3A_2, %add3A_464 : i32
    %dma_wait3A_466 = arith.constant 2 : i32
    %dma_wait3A_467 = arith.constant 0 : i32
    %dma_wait3A_468 = arith.constant 0 : i32
    %dma_wait3A_469 = tpu.memref_slice %arg6[%dma_wait3A_466, %dma_wait3A_467, %dma_wait3A_468] : memref<4x56x128xf32, #tpu.memory_space<vmem>> -> memref<1x50x128xf32, #tpu.memory_space<vmem>>
    %dma_wait3A_470 = tpu.memref_squeeze %dma_wait3A_469 : memref<1x50x128xf32, #tpu.memory_space<vmem>> -> memref<50x128xf32, #tpu.memory_space<vmem>>
    %dma_wait3A_471 = arith.constant 0 : i32
    %dma_wait3A_472 = arith.constant 0 : i32
    %dma_wait3A_473 = tpu.memref_slice %arg4[%add3A_465, %dma_wait3A_471, %dma_wait3A_472] : memref<4096x50x128xf32, #tpu.memory_space<hbm>> -> memref<1x50x128xf32, #tpu.memory_space<hbm>>
    %dma_wait3A_474 = tpu.memref_squeeze %dma_wait3A_473 : memref<1x50x128xf32, #tpu.memory_space<hbm>> -> memref<50x128xf32, #tpu.memory_space<hbm>>
    %dma_wait3A_475 = arith.constant 0 : i32
    %dma_wait3A_476 = arith.constant 0 : i32
    %dma_wait3A_477 = tpu.memref_slice %arg4[%add3A_465, %dma_wait3A_475, %dma_wait3A_476] : memref<4096x50x128xf32, #tpu.memory_space<hbm>> -> memref<1x50x128xf32, #tpu.memory_space<hbm>>
    %dma_wait3A_478 = tpu.memref_squeeze %dma_wait3A_477 : memref<1x50x128xf32, #tpu.memory_space<hbm>> -> memref<50x128xf32, #tpu.memory_space<hbm>>
    %dma_wait3A_479 = arith.constant 0 : i32
    %dma_wait3A_480 = arith.constant 0 : i32
    %dma_wait3A_481 = tpu.memref_slice %arg6[%dma_wait3A_466, %dma_wait3A_479, %dma_wait3A_480] : memref<4x56x128xf32, #tpu.memory_space<vmem>> -> memref<1x50x128xf32, #tpu.memory_space<vmem>>
    %dma_wait3A_482 = tpu.memref_squeeze %dma_wait3A_481 : memref<1x50x128xf32, #tpu.memory_space<vmem>> -> memref<50x128xf32, #tpu.memory_space<vmem>>
    tpu.wait_dma2 semaphore(%arg13 : memref<!tpu.dma_semaphore, #tpu.memory_space<semaphore_mem>>) src(%dma_wait3A_482 : memref<50x128xf32, #tpu.memory_space<vmem>>) dst(%dma_wait3A_478 : memref<50x128xf32, #tpu.memory_space<hbm>>)
    %add3A_483 = arith.constant 127 : i32
    %add3A_484 = arith.addi %mul3A_2, %add3A_483 : i32
    %dma_wait3A_485 = arith.constant 3 : i32
    %dma_wait3A_486 = arith.constant 0 : i32
    %dma_wait3A_487 = arith.constant 0 : i32
    %dma_wait3A_488 = tpu.memref_slice %arg6[%dma_wait3A_485, %dma_wait3A_486, %dma_wait3A_487] : memref<4x56x128xf32, #tpu.memory_space<vmem>> -> memref<1x50x128xf32, #tpu.memory_space<vmem>>
    %dma_wait3A_489 = tpu.memref_squeeze %dma_wait3A_488 : memref<1x50x128xf32, #tpu.memory_space<vmem>> -> memref<50x128xf32, #tpu.memory_space<vmem>>
    %dma_wait3A_490 = arith.constant 0 : i32
    %dma_wait3A_491 = arith.constant 0 : i32
    %dma_wait3A_492 = tpu.memref_slice %arg4[%add3A_484, %dma_wait3A_490, %dma_wait3A_491] : memref<4096x50x128xf32, #tpu.memory_space<hbm>> -> memref<1x50x128xf32, #tpu.memory_space<hbm>>
    %dma_wait3A_493 = tpu.memref_squeeze %dma_wait3A_492 : memref<1x50x128xf32, #tpu.memory_space<hbm>> -> memref<50x128xf32, #tpu.memory_space<hbm>>
    %dma_wait3A_494 = arith.constant 0 : i32
    %dma_wait3A_495 = arith.constant 0 : i32
    %dma_wait3A_496 = tpu.memref_slice %arg4[%add3A_484, %dma_wait3A_494, %dma_wait3A_495] : memref<4096x50x128xf32, #tpu.memory_space<hbm>> -> memref<1x50x128xf32, #tpu.memory_space<hbm>>
    %dma_wait3A_497 = tpu.memref_squeeze %dma_wait3A_496 : memref<1x50x128xf32, #tpu.memory_space<hbm>> -> memref<50x128xf32, #tpu.memory_space<hbm>>
    %dma_wait3A_498 = arith.constant 0 : i32
    %dma_wait3A_499 = arith.constant 0 : i32
    %dma_wait3A_500 = tpu.memref_slice %arg6[%dma_wait3A_485, %dma_wait3A_498, %dma_wait3A_499] : memref<4x56x128xf32, #tpu.memory_space<vmem>> -> memref<1x50x128xf32, #tpu.memory_space<vmem>>
    %dma_wait3A_501 = tpu.memref_squeeze %dma_wait3A_500 : memref<1x50x128xf32, #tpu.memory_space<vmem>> -> memref<50x128xf32, #tpu.memory_space<vmem>>
    tpu.wait_dma2 semaphore(%arg14 : memref<!tpu.dma_semaphore, #tpu.memory_space<semaphore_mem>>) src(%dma_wait3A_501 : memref<50x128xf32, #tpu.memory_space<vmem>>) dst(%dma_wait3A_497 : memref<50x128xf32, #tpu.memory_space<hbm>>)
    return
  }
}

</mosaic_0001>

<sc_bundles>
// kernel: kernel.3.cloned.1.call-start
scs
__scs_entry_jumppad:
0x0: {  	(pc) =	sbr.rel $0x88, $3  }
0x1: {  	(tag) =	ssettag $0x0;
	lr =	simm.s32 $0x1  }
0x2: {  	[smem:$0x3F9F] =	sst lr;
	_ =	strace $0xD0000000  }
0x3: {  	_ = 	snop  }
0x4: {  	_ = 	snop  }
0x5: {  	_ = 	snop  }
0x6: {  	_ = 	snop  }
0x7: {  	_ = 	snop  }
__scs_overlays_trampoline_lowered:
0x8: {  	[smem:$0x3FAE] =	sst s0  }
0x9: {  	[smem:$0x3FAF] =	sst s1  }
0xa: {  	[smem:$0x3FB0] =	sst s2  }
0xb: {  	[smem:$0x3FB1] =	sst s3  }
0xc: {  	[smem:$0x3FB2] =	sst s4  }
0xd: {  	[smem:$0x3FB3] =	sst s5  }
0xe: {  	[smem:$0x3FB4] =	sst s6  }
0xf: {  	[smem:$0x3FB5] =	sst s7  }
0x10: {  	[smem:$0x3FB6] =	sst s8  }
0x11: {  	[smem:$0x3FB7] =	sst s9;
	s0 =	simm.s32 @!p0 $0x0  }
0x12: {  	s1 =	sld [smem:$0x3F9D];
	s0 =	simm.s32 @p0 $0x1  }
0x13: {  	[smem:$0x3FB8] =	sst s0;
	s0 =	simm.s32 @!p1 $0x0  }
0x14: {  	s2 =	sld [smem:$0x3F9C];
	s0 =	simm.s32 @p1 $0x1  }
0x15: {  	[smem:$0x3FB9] =	sst s0;
	s0 =	simm.s32 @!p2 $0x0  }
0x16: {  	s3 =	sld [smem:$0x3FDB];
	s0 =	simm.s32 @p2 $0x1  }
0x17: {  	s4 =	simm.s32 $0x1BF5;
	[smem:$0x3FBB] =	sst s0  }
0x18: {  	s0 =	sld [smem:$0x3F9E];
	_ =	swait.ge [sflag:s4], $0x0  }
0x19: {  	s7 =	sld [smem:$0x3F9F]  }
0x1a: {  	s8 =	sadd.s32 $0xFFFFE003, lr  }
0x1b: {  	s9 =	sadd.s32 $0xFFFFFEF7, lr;
	s5 =	simm.s32 $0xFFFFFFFF;
	p2 =	slt.u32 s8, $0xFFFFF086  }
0x1c: {  	p1 =	slt.u32 s9, $0xF7A;
	s5 =	simm.s32 @!p2 $0x0  }
0x1d: {  	s5 =	simm.s32 @p1 $0x1;
	p0 =	seq.s32 s7, s2  }
0x1e: {  	s7 =	smul.u32 @!p0 $0xF7A, s2;
	p2 =	seq.s32 @!p0 s5, $0x0  }
0x1f: {  	s9 =	smul.u32 $0xF7A, s1;
	s8 =	simm.s32 @!p0 $0x1BF5;
	p2 =	por !p2, p0  }
0x20: {  	[sflag:s8] =	ssyncset.s32 @!p0 $0xFFFFF086;
	s6 =	sadd.s32 @!p0 s3, s7;
	s7 =	simm.s32 @!p0 $0x108  }
0x21: {  	s3 =	sadd.s32 s3, s9;
	s6 =	sadd.s32 @!p0 $0x88, s6;
	s7 =	simm.s32 @p2 $0x1082  }
0x22: {  	[simem:s7], [sflag:s8] =	dma.local @!p0 [hbm:s6], $0xF7A  }
0x23: {  	s9 =	sor.u32 $0xD0000000, s2;
	s6 =	simm.s32 $0x108;
	_ =	swait.ge @!p0 [sflag:s8], $0x0  }
0x24: {  	s3 =	sadd.s32 $0x88, s3;
	s6 =	simm.s32 @!p1 $0x1082;
	[sflag:s4] =	ssyncset.s32 $0xFFFFF086  }
0x25: {  	[simem:s6], [sflag:s4] =	dma.local [hbm:s3], $0xF7A  }
0x26: {  	[smem:$0x3F9F] =	sst s1;
	(tag) =	ssettag s2;
	_ =	strace s9  }
0x27: {  	s1 =	sld [smem:$0x3FAF]  }
0x28: {  	s2 =	sld [smem:$0x3FB0]  }
0x29: {  	s4 =	sld [smem:$0x3FB2]  }
0x2a: {  	p0 =	seq.s32 s5, $0x0;
	s5 =	sld [smem:$0x3FB3]  }
0x2b: {  	s6 =	sld [smem:$0x3FB4]  }
0x2c: {  	s7 =	sld [smem:$0x3FB5]  }
0x2d: {  	s3 =	simm.s32 $0x108;
	s8 =	sld [smem:$0x3FB6]  }
0x2e: {  	s3 =	simm.s32 @!p0 $0x1082;
	s9 =	sld [smem:$0x3FB7]  }
0x2f: {  	lr =	sadd.s32 s0, s3;
	s0 =	sld [smem:$0x3FAE]  }
0x30: {  	s3 =	sld [smem:$0x3FB1]  }
0x31: {  	[smem:$0x3FBA] =	sst s10  }
0x32: {  	s10 =	sld [smem:$0x3FB8];
	_ =	sdelay $0x3  }
0x33: {  	p0 =	seq.s32 s10, $0x1;
	s10 =	sld [smem:$0x3FBA];
	_ =	sdelay $0x3  }
0x34: {  	[smem:$0x3FBA] =	sst s10  }
0x35: {  	s10 =	sld [smem:$0x3FB9];
	_ =	sdelay $0x3  }
0x36: {  	p1 =	seq.s32 s10, $0x1;
	s10 =	sld [smem:$0x3FBA];
	_ =	sdelay $0x3  }
0x37: {  	[smem:$0x3FBA] =	sst s10  }
0x38: {  	s10 =	sld [smem:$0x3FBB]  }
0x39: {  	_ = 	snop;
	(pc) =	sbr.ind lr, $3  }
0x3a: {  	_ = 	snop  }
0x3b: {  	_ = 	snop  }
0x3c: {  	p2 =	seq.s32 s10, $0x1;
	s10 =	sld [smem:$0x3FBA]  }
0x3d: {  	_ =	shalt  }
0x3e: {  	_ =	shalt  }
0x3f: {  	_ =	shalt  }
0x40: {  	_ =	shalt  }
0x41: {  	_ =	shalt  }
0x42: {  	_ =	shalt  }
0x43: {  	_ =	shalt  }
0x44: {  	_ =	shalt  }
0x45: {  	_ =	shalt  }
0x46: {  	_ =	shalt  }
0x47: {  	_ =	shalt  }
0x48: {  	_ =	shalt  }
0x49: {  	_ =	shalt  }
0x4a: {  	_ =	shalt  }
0x4b: {  	_ =	shalt  }
0x4c: {  	_ =	shalt  }
0x4d: {  	_ =	shalt  }
0x4e: {  	_ =	shalt  }
0x4f: {  	_ =	shalt  }
0x50: {  	_ =	shalt  }
0x51: {  	_ =	shalt  }
0x52: {  	_ =	shalt  }
0x53: {  	_ =	shalt  }
0x54: {  	_ =	shalt  }
0x55: {  	_ =	shalt  }
0x56: {  	_ =	shalt  }
0x57: {  	_ =	shalt  }
0x58: {  	_ =	shalt  }
0x59: {  	_ =	shalt  }
0x5a: {  	_ =	shalt  }
0x5b: {  	_ =	shalt  }
0x5c: {  	_ =	shalt  }
0x5d: {  	_ =	shalt  }
0x5e: {  	_ =	shalt  }
0x5f: {  	_ =	shalt  }
0x60: {  	_ =	shalt  }
0x61: {  	_ =	shalt  }
0x62: {  	_ =	shalt  }
0x63: {  	_ =	shalt  }
0x64: {  	_ =	shalt  }
0x65: {  	_ =	shalt  }
0x66: {  	_ =	shalt  }
0x67: {  	_ =	shalt  }
0x68: {  	_ =	shalt  }
0x69: {  	_ =	shalt  }
0x6a: {  	_ =	shalt  }
0x6b: {  	_ =	shalt  }
0x6c: {  	_ =	shalt  }
0x6d: {  	_ =	shalt  }
0x6e: {  	_ =	shalt  }
0x6f: {  	_ =	shalt  }
0x70: {  	_ =	shalt  }
0x71: {  	_ =	shalt  }
0x72: {  	_ =	shalt  }
0x73: {  	_ =	shalt  }
0x74: {  	_ =	shalt  }
0x75: {  	_ =	shalt  }
0x76: {  	_ =	shalt  }
0x77: {  	_ =	shalt  }
0x78: {  	_ =	shalt  }
0x79: {  	_ =	shalt  }
0x7a: {  	_ =	shalt  }
0x7b: {  	_ =	shalt  }
0x7c: {  	_ =	shalt  }
0x7d: {  	_ =	shalt  }
0x7e: {  	_ =	shalt  }
0x7f: {  	_ =	shalt  }
0x80: {  	_ =	shalt  }
0x81: {  	_ =	shalt  }
0x82: {  	_ =	shalt  }
0x83: {  	_ =	shalt  }
0x84: {  	_ =	shalt  }
0x85: {  	_ =	shalt  }
0x86: {  	_ =	shalt  }
0x87: {  	_ =	shalt  }
.Lfunc_end0:
.L_simem_size_0:
called_computation_lowered:
.L_overlay_start_0:
0x88: {  	s2 =	sld [smem:$0x3FD9]  }
0x89: {  	s3 =	sld [smem:$0x3FFE];
	_ =	sdelay $0x1  }
0x8a: {  	s1 =	srdreg.scid  }
0x8b: {  	s0 =	sand.u32 $0x1, s1  }
0x8c: {  	s17 =	sshll.u32 s0, $0xA;
	s2 =	sadd.s32 s3, s2  }
0x8d: {  	s2 =	sadd.s32 s2, s17  }
0x8e: {  	[smem:$0x3FC6] =	sst s2  }
0x8f: {  	_ = 	snop  }
0x90: {  	s2 =	sld [smem:$0x3FC8]  }
0x91: {  	s18 =	sld [smem:$0x3FD0];
	(tm) =	ssettm $0x1  }
0x92: {  	s4 =	sld [smem:$0x3FFB];
	_ =	sdelay $0x3  }
0x93: {  	_ =	strace s4  }
0x94: {  	s4 =	sld [smem:$0x3FFC];
	_ =	sdelay $0x3  }
0x95: {  	_ =	strace s4  }
0x96: {  	s4 =	sld [smem:$0x3FFD];
	_ =	sdelay $0x3  }
0x97: {  	_ =	strace s4  }
0x98: {  	_ =	strace $0x8FFFFFFF  }
0x99: {  	s19 =	sld [smem:$0x3FDB];
	_ =	sdelay $0x1  }
0x9a: {  	s5 =	simm.s32 $_scs_section_size  }
0x9b: {  	s6 =	simm.s32 $_size__tile_overlayer_lowered;
	s7 =	simm.s32 $_tile_overlayer_lowered  }
0x9c: {  	s22 =	simm.s32 $0x1BFF;
	s21 =	sshll.u32 s7, $0x1;
	s4 =	sadd.s32 s5, s19  }
0x9d: {  	s8 =	simm.s32 $0x0;
	s20 =	sshll.u32 s6, $0x1;
	s6 =	sadd.s32 s21, s4  }
0x9e: {  	[timem:s8], [sflag:s22] =	dma.local [hbm:s6], s20  }
0x9f: {  	_ =	swait.ge [sflag:s22], s20  }
0xa0: {  	s5 =	ssub.s32 $0x0, s20;
	[sflag:s22] =	ssyncset.done $0x0  }
0xa1: {  	[sflag:s22] =	ssyncadd.s32 s5;
	_ =	sdelay $0x1  }
0xa2: {  	s23 =	simm.s32 $0x1B8B  }
0xa3: {  	_ =	swait.ge [sflag:s23], $0x1  }
0xa4: {  	[sflag:s23] =	ssyncset.done $0x0  }
0xa5: {  	s25 =	simm.s32 $0x1B8E;
	s24 =	sld [smem:$0x3FFE];
	[sflag:s23] =	ssyncadd.s32 $0xFFFFFFFF  }
0xa6: {  	s26 =	simm.s32 $execute0_lowered;
	[smem:$0x3FD2] =	sst s25  }
0xa7: {  	s6 =	sshll.u32 s26, $0x1;
	_ =	strace $0x80000046;
	[dreg:$0x1] =	wrdreg $0xFFFFFFFF  }
0xa8: {  	s28 =	simm.s32 $_size_execute0_lowered;
	s4 =	sadd.s32 s4, s6;
	[dreg:$0x0] =	wrdreg $0x0  }
0xa9: {  	s6 =	sshll.u32 s28, $0x1;
	[dreg:$0x2] =	wrdreg s4  }
0xaa: {  	[dreg:$0x3] =	wrdreg s6  }
0xab: {  	[dreg:$0x4] =	wrdreg $0xC0  }
0xac: {  	_ =	task [dreg:s8], $0x5FFFF  }
0xad: {  	[dreg:$0x1] =	wrdreg $0xFFFFFFFF  }
0xae: {  	[dreg:$0x0] =	wrdreg $0x60  }
0xaf: {  	[dreg:$0x2] =	wrdreg s18  }
0xb0: {  	[dreg:$0x3] =	wrdreg s2  }
0xb1: {  	[dreg:$0x4] =	wrdreg s24  }
0xb2: {  	[dreg:$0x5] =	wrdreg $0x9  }
0xb3: {  	_ =	task.clear_ibuf [dreg:s8], $0x6FFFF;
	_ =	strace $0x90000046  }
0xb4: {  	s29 =	simm.s32 $0x9;
	_ =	strace $0x80000048  }
0xb5: {  	_ =	swait.ge [sflag:s29], $0x1  }
0xb6: {  	[sflag:s29] =	ssyncadd.s32 $0xFFFFFFFF  }
0xb7: {  	_ =	strace $0x90000048  }
0xb8: {  	_ =	sfence  }
0xb9: {  	s30 =	sld [smem:$0x0];
	_ =	sdelay $0x2  }
0xba: {  	s31 =	sshll.u32 s1, $0xD;
	s1 =	sshrl.u32 s1, $0x2  }
0xbb: {  	s3 =	sand.u32 $0x4000, s31;
	s1 =	sadd.s32 s1, s30  }
0xbc: {  	s0 =	sor.u32 s3, s0;
	s1 =	sshll.u32 s1, $0x11  }
0xbd: {  	s0 =	sor.u32 s1, s0  }
0xbe: {  	s0 =	sadd.s32 $0x8F2B, s0  }
0xbf: {  	[sflag:s0] =	ssyncadd.remote.s32 $0x1  }
0xc0: {  	_ =	sfence.sel $0xFFFF  }
0xc1: {  	[dreg:$0x0] =	wrdreg $0xFFFFFFFF;
	(pc) =	sbr.abs _section_cstart, $3  }
0xc2: {  	[dreg:$0x1] =	wrdreg $0xFFFFFFFF  }
0xc3: {  	_ =	task.clear_ibuf [dreg:s8], $0x2FFFF;
	_ =	strace $0x9FFFFFFF  }
0xc4: {  	(tm) =	ssettm $0x7FFFFFFF  }
0xc5: {  	_ =	shalt  }
tec
execute0_lowered:
.L_overlay_start_1:
0x0: {  	(tag) =	ssettag $0x1  }
0x1: {  	s0 =	rddreg [dreg:$0x0]  }
0x2: {  	s2 =	rddreg [dreg:$0x1];
	s1 =	srdreg.scid  }
0x3: {  	s12 =	stileid.u32;
	s4 =	rddreg [dreg:$0x2];
	s3 =	simm.s32 $0x0  }
0x4: {  	s15 =	simm.s32 $0x9;
	s16 =	simm.s32 $0x38;
	s17 =	simm.s32 $0x4000  }
0x5: {  	s19 =	simm.s32 $0x5C00;
	s21 =	simm.s32 $0x7800;
	s23 =	simm.s32 $0x9400  }
0x6: {  	s24 =	simm.s32 $0x1;
	s25 =	simm.s32 $0x5;
	s28 =	simm.s32 $0x2  }
0x7: {  	s29 =	simm.s32 $0x6;
	s31 =	simm.s32 $0x3;
	s18 =	simm.s32 $0x4  }
0x8: {  	s20 =	simm.s32 $0x8;
	s1 =	sand.u32 $0x1, s1;
	s5 =	sshll.u32 s12, $0x1  }
0x9: {  	[smem:$0x7FF] =	sst s3;
	s11 =	sadd.s32 $0x600, s4;
	s12 =	smul.u32 $0x38000, s12  }
0xa: {  	s5 =	sor.u32 s1, s5;
	s6 =	ssub.s32 $0x2, s1;
	s1 =	smul.u32 $0x1C000, s1  }
0xb: {  	_ =	strace $0x80000047;
	s7 =	smul.u32 $0x1C000, s5;
	s8 =	sshrl.u32 s6, $0x1  }
0xc: {  	s9 =	sshll.u32 s5, $0xB;
	s10 =	smul.u32 $0xE0000, s5;
	s14 =	sadd.s32 s12, s11  }
0xd: {  	s13 =	ssub.s32 s6, s8;
	s0 =	sadd.s32 s0, s9;
	s30 =	sadd.s32 s1, s14  }
0xe: {  	s1 =	simm.s32 $0x7;
	s4 =	sadd.s32 s11, s7;
	[dreg:$0x4] =	wrdreg s0  }
0xf: {  	s26 =	sshrl.u32 s10, $0x3;
	s13 =	smax.u32 s13, $0x1;
	s14 =	sadd.s32 $0xE00, s30  }
0x10: {  	s6 =	sadd.s32 $0x380, s4;
	s7 =	sadd.s32 $0x700, s4;
	s0 =	sadd.s32 s11, s26  }
0x11: {  	s8 =	sadd.s32 $0xA80, s4;
	s26 =	simm.s32 $0x0;
	s9 =	sadd.s32 $0x1B200, s0  }
0x12: {  	s10 =	sadd.s32 $0x1B580, s0;
	s11 =	sadd.s32 $0x1B900, s0;
	s12 =	sadd.s32 $0x1BC80, s0  }
.LBB2_1:
0x13: {  	s0 =	rddreg [dreg:$0x4]  }
0x14: {  	[tilespmem:s3], [sflag:$0x9] =	stream.linear.gather [hbm4b:s0+s3], $0x4000, $0x38;
	[tilespmem:$0xB000] =	vst v63  }
0x15: {  	_ =	swait.ge [sflag:s15], $0x4000  }
0x16: {  	[sflag:s15] =	ssyncset.done $0x0  }
0x17: {  	[sflag:s15] =	ssyncadd.s32 $0xFFFFC000  }
0x18: {  	[tilespmem:s17], [sflag:$0x1] =	stream.indirect.gather [hbm4b:s2+s16], $0x80, s3, s16, $0xb8;
	[tilespmem:$0xB000] =	vst v63  }
0x19: {  	s5 =	simm.s32 $0x80  }
0x1a: {  	[tilespmem:s19], [sflag:$0x2] =	stream.indirect.gather [hbm4b:s2+s16], $0x80, s5, s16, $0xb8;
	[tilespmem:$0xB000] =	vst v63  }
0x1b: {  	s22 =	simm.s32 $0x100  }
0x1c: {  	[tilespmem:s21], [sflag:$0x3] =	stream.indirect.gather [hbm4b:s2+s16], $0x80, s22, s16, $0xb8;
	[tilespmem:$0xB000] =	vst v63  }
0x1d: {  	s5 =	simm.s32 $0x180  }
0x1e: {  	[tilespmem:s23], [sflag:$0x4] =	stream.indirect.gather [hbm4b:s2+s16], $0x80, s5, s16, $0xb8;
	[tilespmem:$0xB000] =	vst v63  }
0x1f: {  	_ =	swait.ge [sflag:s24], $0x1C00  }
0x20: {  	[sflag:s24] =	ssyncset.done $0x0  }
0x21: {  	[sflag:s24] =	ssyncadd.s32 $0xFFFFE400  }
0x22: {  	[hbm4b:s4+s3] =	stream.linear.scatter [tilespmem:s17], [sflag:$0x5], $0x1900, $0x38;
	[tilespmem:$0xB000] =	vst v63  }
0x23: {  	_ =	swait.ge [sflag:s25], $0x1900  }
0x24: {  	[sflag:s25] =	ssyncset.done $0x0  }
0x25: {  	s22 =	simm.s32 $0x200;
	[sflag:s25] =	ssyncadd.s32 $0xFFFFE700  }
0x26: {  	[tilespmem:s17], [sflag:$0x1] =	stream.indirect.gather [hbm4b:s2+s16], $0x80, s22, s16, $0xb8;
	[tilespmem:$0xB000] =	vst v63  }
0x27: {  	_ =	swait.ge [sflag:s28], $0x1C00  }
0x28: {  	[sflag:s28] =	ssyncset.done $0x0  }
0x29: {  	[sflag:s28] =	ssyncadd.s32 $0xFFFFE400  }
0x2a: {  	[hbm4b:s6+s3] =	stream.linear.scatter [tilespmem:s19], [sflag:$0x6], $0x1900, $0x38;
	[tilespmem:$0xB000] =	vst v63  }
0x2b: {  	_ =	swait.ge [sflag:s29], $0x1900  }
0x2c: {  	[sflag:s29] =	ssyncset.done $0x0  }
0x2d: {  	s5 =	simm.s32 $0x280;
	[sflag:s29] =	ssyncadd.s32 $0xFFFFE700  }
0x2e: {  	[tilespmem:s19], [sflag:$0x2] =	stream.indirect.gather [hbm4b:s2+s16], $0x80, s5, s16, $0xb8;
	[tilespmem:$0xB000] =	vst v63  }
0x2f: {  	_ =	swait.ge [sflag:s31], $0x1C00  }
0x30: {  	[sflag:s31] =	ssyncset.done $0x0  }
0x31: {  	[sflag:s31] =	ssyncadd.s32 $0xFFFFE400  }
0x32: {  	[hbm4b:s7+s3] =	stream.linear.scatter [tilespmem:s21], [sflag:$0x7], $0x1900, $0x38;
	[tilespmem:$0xB000] =	vst v63  }
0x33: {  	_ =	swait.ge [sflag:s1], $0x1900  }
0x34: {  	[sflag:s1] =	ssyncset.done $0x0  }
0x35: {  	s22 =	simm.s32 $0x300;
	[sflag:s1] =	ssyncadd.s32 $0xFFFFE700  }
0x36: {  	[tilespmem:s21], [sflag:$0x3] =	stream.indirect.gather [hbm4b:s2+s16], $0x80, s22, s16, $0xb8;
	[tilespmem:$0xB000] =	vst v63  }
0x37: {  	_ =	swait.ge [sflag:s18], $0x1C00  }
0x38: {  	[sflag:s18] =	ssyncset.done $0x0  }
0x39: {  	[sflag:s18] =	ssyncadd.s32 $0xFFFFE400  }
0x3a: {  	[hbm4b:s8+s3] =	stream.linear.scatter [tilespmem:s23], [sflag:$0x8], $0x1900, $0x38;
	[tilespmem:$0xB000] =	vst v63  }
0x3b: {  	_ =	swait.ge [sflag:s20], $0x1900  }
0x3c: {  	[sflag:s20] =	ssyncset.done $0x0  }
0x3d: {  	s5 =	simm.s32 $0x380;
	[sflag:s20] =	ssyncadd.s32 $0xFFFFE700  }
0x3e: {  	[tilespmem:s23], [sflag:$0x4] =	stream.indirect.gather [hbm4b:s2+s16], $0x80, s5, s16, $0xb8;
	[tilespmem:$0xB000] =	vst v63  }
0x3f: {  	_ =	swait.ge [sflag:s24], $0x1C00  }
0x40: {  	[sflag:s24] =	ssyncset.done $0x0  }
0x41: {  	[sflag:s24] =	ssyncadd.s32 $0xFFFFE400  }
0x42: {  	[hbm4b:s14+s3] =	stream.linear.scatter [tilespmem:s17], [sflag:$0x5], $0x1900, $0x38;
	[tilespmem:$0xB000] =	vst v63  }
0x43: {  	_ =	swait.ge [sflag:s25], $0x1900  }
0x44: {  	[sflag:s25] =	ssyncset.done $0x0  }
0x45: {  	s22 =	simm.s32 $0x400;
	[sflag:s25] =	ssyncadd.s32 $0xFFFFE700  }
0x46: {  	[tilespmem:s17], [sflag:$0x1] =	stream.indirect.gather [hbm4b:s2+s16], $0x80, s22, s16, $0xb8;
	[tilespmem:$0xB000] =	vst v63  }
0x47: {  	_ =	swait.ge [sflag:s28], $0x1C00  }
0x48: {  	[sflag:s28] =	ssyncset.done $0x0  }
0x49: {  	s5 =	sadd.s32 $0x380, s14;
	[sflag:s28] =	ssyncadd.s32 $0xFFFFE400  }
0x4a: {  	[hbm4b:s5+s3] =	stream.linear.scatter [tilespmem:s19], [sflag:$0x6], $0x1900, $0x38;
	[tilespmem:$0xB000] =	vst v63  }
0x4b: {  	_ =	swait.ge [sflag:s29], $0x1900  }
0x4c: {  	[sflag:s29] =	ssyncset.done $0x0  }
0x4d: {  	s22 =	simm.s32 $0x480;
	[sflag:s29] =	ssyncadd.s32 $0xFFFFE700  }
0x4e: {  	[tilespmem:s19], [sflag:$0x2] =	stream.indirect.gather [hbm4b:s2+s16], $0x80, s22, s16, $0xb8;
	[tilespmem:$0xB000] =	vst v63  }
0x4f: {  	_ =	swait.ge [sflag:s31], $0x1C00  }
0x50: {  	[sflag:s31] =	ssyncset.done $0x0  }
0x51: {  	s5 =	sadd.s32 $0x700, s14;
	[sflag:s31] =	ssyncadd.s32 $0xFFFFE400  }
0x52: {  	[hbm4b:s5+s3] =	stream.linear.scatter [tilespmem:s21], [sflag:$0x7], $0x1900, $0x38;
	[tilespmem:$0xB000] =	vst v63  }
0x53: {  	_ =	swait.ge [sflag:s1], $0x1900  }
0x54: {  	[sflag:s1] =	ssyncset.done $0x0  }
0x55: {  	s22 =	simm.s32 $0x500;
	[sflag:s1] =	ssyncadd.s32 $0xFFFFE700  }
0x56: {  	[tilespmem:s21], [sflag:$0x3] =	stream.indirect.gather [hbm4b:s2+s16], $0x80, s22, s16, $0xb8;
	[tilespmem:$0xB000] =	vst v63  }
0x57: {  	_ =	swait.ge [sflag:s18], $0x1C00  }
0x58: {  	s30 =	simm.s32 $0x800;
	[sflag:s18] =	ssyncset.done $0x0  }
0x59: {  	s0 =	sadd.s32 $0xE00, s14;
	s22 =	sadd.s32 $0xA80, s14;
	[sflag:s18] =	ssyncadd.s32 $0xFFFFE400  }
.LBB2_2:
0x5a: {  	[hbm4b:s22+s3] =	stream.linear.scatter [tilespmem:s23], [sflag:$0x8], $0x1900, $0x38;
	[tilespmem:$0xB000] =	vst v63  }
0x5b: {  	s22 =	smov.u32 s30  }
0x5c: {  	p0 =	sne.s32 s30, $0xE800;
	s30 =	sadd.s32 $0x800, s30;
	_ =	swait.ge [sflag:s20], $0x1900  }
0x5d: {  	s22 =	sshra.s32 s22, $0x2;
	[sflag:s20] =	ssyncset.done $0x0  }
0x5e: {  	s5 =	sadd.s32 $0x380, s22;
	[sflag:s20] =	ssyncadd.s32 $0xFFFFE700  }
0x5f: {  	[tilespmem:s23], [sflag:$0x4] =	stream.indirect.gather [hbm4b:s2+s16], $0x80, s5, s16, $0xb8;
	[tilespmem:$0xB000] =	vst v63  }
0x60: {  	_ =	swait.ge [sflag:s24], $0x1C00  }
0x61: {  	[sflag:s24] =	ssyncset.done $0x0  }
0x62: {  	[sflag:s24] =	ssyncadd.s32 $0xFFFFE400  }
0x63: {  	[hbm4b:s0+s3] =	stream.linear.scatter [tilespmem:s17], [sflag:$0x5], $0x1900, $0x38;
	[tilespmem:$0xB000] =	vst v63  }
0x64: {  	_ =	swait.ge [sflag:s25], $0x1900  }
0x65: {  	[sflag:s25] =	ssyncset.done $0x0  }
0x66: {  	s5 =	sadd.s32 $0x400, s22;
	[sflag:s25] =	ssyncadd.s32 $0xFFFFE700  }
0x67: {  	[tilespmem:s17], [sflag:$0x1] =	stream.indirect.gather [hbm4b:s2+s16], $0x80, s5, s16, $0xb8;
	[tilespmem:$0xB000] =	vst v63  }
0x68: {  	_ =	swait.ge [sflag:s28], $0x1C00  }
0x69: {  	[sflag:s28] =	ssyncset.done $0x0  }
0x6a: {  	s5 =	sadd.s32 $0x380, s0;
	[sflag:s28] =	ssyncadd.s32 $0xFFFFE400  }
0x6b: {  	[hbm4b:s5+s3] =	stream.linear.scatter [tilespmem:s19], [sflag:$0x6], $0x1900, $0x38;
	[tilespmem:$0xB000] =	vst v63  }
0x6c: {  	_ =	swait.ge [sflag:s29], $0x1900  }
0x6d: {  	[sflag:s29] =	ssyncset.done $0x0  }
0x6e: {  	s5 =	sadd.s32 $0x480, s22;
	[sflag:s29] =	ssyncadd.s32 $0xFFFFE700  }
0x6f: {  	[tilespmem:s19], [sflag:$0x2] =	stream.indirect.gather [hbm4b:s2+s16], $0x80, s5, s16, $0xb8;
	[tilespmem:$0xB000] =	vst v63  }
0x70: {  	_ =	swait.ge [sflag:s31], $0x1C00  }
0x71: {  	[sflag:s31] =	ssyncset.done $0x0  }
0x72: {  	s5 =	sadd.s32 $0x700, s0;
	[sflag:s31] =	ssyncadd.s32 $0xFFFFE400  }
0x73: {  	[hbm4b:s5+s3] =	stream.linear.scatter [tilespmem:s21], [sflag:$0x7], $0x1900, $0x38;
	[tilespmem:$0xB000] =	vst v63  }
0x74: {  	_ =	swait.ge [sflag:s1], $0x1900  }
0x75: {  	[sflag:s1] =	ssyncset.done $0x0  }
.Ltmp0:
0x76: {  	s5 =	sadd.s32 $0x500, s22;
	[sflag:s1] =	ssyncadd.s32 $0xFFFFE700;
	(pc) =	sbr.rel @p0 .LBB2_2-.Ltmp0, $4  }
0x77: {  	[tilespmem:s21], [sflag:$0x3] =	stream.indirect.gather [hbm4b:s2+s16], $0x80, s5, s16, $0xb8;
	[tilespmem:$0xB000] =	vst v63  }
0x78: {  	_ =	swait.ge [sflag:s18], $0x1C00  }
0x79: {  	[sflag:s18] =	ssyncset.done $0x0  }
0x7a: {  	s22 =	sadd.s32 $0xA80, s0;
	s0 =	sadd.s32 $0xE00, s0;
	[sflag:s18] =	ssyncadd.s32 $0xFFFFE400  }
0x7b: {  	[hbm4b:s22+s3] =	stream.linear.scatter [tilespmem:s23], [sflag:$0x8], $0x1900, $0x38;
	[tilespmem:$0xB000] =	vst v63  }
0x7c: {  	_ =	swait.ge [sflag:s20], $0x1900  }
0x7d: {  	[sflag:s20] =	ssyncset.done $0x0  }
0x7e: {  	s0 =	simm.s32 $0x3F80;
	[sflag:s20] =	ssyncadd.s32 $0xFFFFE700  }
0x7f: {  	[tilespmem:s23], [sflag:$0x4] =	stream.indirect.gather [hbm4b:s2+s16], $0x80, s0, s16, $0xb8;
	[tilespmem:$0xB000] =	vst v63  }
0x80: {  	_ =	swait.ge [sflag:s24], $0x1C00  }
0x81: {  	[sflag:s24] =	ssyncset.done $0x0  }
0x82: {  	[sflag:s24] =	ssyncadd.s32 $0xFFFFE400  }
0x83: {  	[hbm4b:s9+s3] =	stream.linear.scatter [tilespmem:s17], [sflag:$0x5], $0x1900, $0x38;
	[tilespmem:$0xB000] =	vst v63  }
0x84: {  	_ =	swait.ge [sflag:s28], $0x1C00  }
0x85: {  	[sflag:s28] =	ssyncset.done $0x0  }
0x86: {  	[sflag:s28] =	ssyncadd.s32 $0xFFFFE400  }
0x87: {  	[hbm4b:s10+s3] =	stream.linear.scatter [tilespmem:s19], [sflag:$0x6], $0x1900, $0x38;
	[tilespmem:$0xB000] =	vst v63  }
0x88: {  	_ =	swait.ge [sflag:s31], $0x1C00  }
0x89: {  	[sflag:s31] =	ssyncset.done $0x0  }
0x8a: {  	[sflag:s31] =	ssyncadd.s32 $0xFFFFE400  }
0x8b: {  	[hbm4b:s11+s3] =	stream.linear.scatter [tilespmem:s21], [sflag:$0x7], $0x1900, $0x38;
	[tilespmem:$0xB000] =	vst v63  }
0x8c: {  	_ =	swait.ge [sflag:s18], $0x1C00  }
0x8d: {  	[sflag:s18] =	ssyncset.done $0x0  }
0x8e: {  	[sflag:s18] =	ssyncadd.s32 $0xFFFFE400  }
0x8f: {  	[hbm4b:s12+s3] =	stream.linear.scatter [tilespmem:s23], [sflag:$0x8], $0x1900, $0x38;
	[tilespmem:$0xB000] =	vst v63  }
0x90: {  	_ =	swait.ge [sflag:s25], $0x1900  }
0x91: {  	[sflag:s25] =	ssyncset.done $0x0  }
0x92: {  	[sflag:s25] =	ssyncadd.s32 $0xFFFFE700  }
0x93: {  	_ =	swait.ge [sflag:s29], $0x1900  }
0x94: {  	[sflag:s29] =	ssyncset.done $0x0  }
0x95: {  	s26 =	sadd.s32 $0x1, s26;
	[sflag:s29] =	ssyncadd.s32 $0xFFFFE700  }
0x96: {  	p0 =	sne.s32 s26, s13;
	_ =	swait.ge [sflag:s1], $0x1900  }
.Ltmp1:
0x97: {  	[sflag:s1] =	ssyncset.done $0x0;
	(pc) =	sbr.rel @p0 .LBB2_1-.Ltmp1, $4  }
0x98: {  	[sflag:s1] =	ssyncadd.s32 $0xFFFFE700  }
0x99: {  	_ =	swait.ge [sflag:s20], $0x1900  }
0x9a: {  	[sflag:s20] =	ssyncset.done $0x0  }
0x9b: {  	[sflag:s20] =	ssyncadd.s32 $0xFFFFE700  }
0x9c: {  	_ =	sfence.sel $0x180000  }
0x9d: {  	[bflag:$0x0] =	sbarrier.arrive $0xFFFF  }
0x9e: {  	_ =	strace $0x90000047  }
0x9f: {  	s0 =	stileid.u32;
	[bflag:$0x2] =	sbarrier.arrive $0xFFFF  }
0xa0: {  	p0 =	sne.s32 s0, $0x0;
	s0 =	rddreg [dreg:$0x3]  }
0xa1: {  	s0 =	sadd.s32 @!p0 $0x100000, s0  }
0xa2: {  	[sflag:s0] =	ssyncadd.tile.s32 @!p0 $0x1;
	_ =	shalt  }
.Lfunc_end2:
_tile_overlayer_lowered:
.L_overlay_start_2:
0xa3: {  	(tag) =	ssettag $0x2  }
0xa4: {  	s0 =	rddreg [dreg:$0x0];
	s2 =	stileid.u32  }
0xa5: {  	s1 =	rddreg [dreg:$0x1];
	p0 =	sne.s32 s2, $0x0  }
0xa6: {  	s3 =	rddreg [dreg:$0x2];
	[bflag:$0x3] =	sbarrier.arrive $0xFFFF;
	s2 =	simm.s32 @!p0 $0x1C09  }
0xa7: {  	[timem:s3], [sflag:s2] =	dma.local @!p0 [hbm:s0], s1  }
0xa8: {  	s0 =	simm.s32 @!p0 $0x9  }
0xa9: {  	_ =	swait.ge @!p0 [sflag:s0], s1  }
0xaa: {  	s1 =	ssub.s32 @!p0 $0x0, s1;
	[sflag:s0] =	ssyncset.done @!p0 $0x0  }
0xab: {  	[sflag:s0] =	ssyncadd.s32 @!p0 s1  }
0xac: {  	[bflag:$0x3] =	sbarrier.arrive $0xFFFF  }
0xad: {  	_ =	shalt  }

</sc_bundles>
